<compile_context>
chip_gen: v7x
topology: tpu7x:2x2x1
jax: 0.10.2.dev20260603
libtpu: 0.0.44.dev20260713+nightly
codegen_flags: <defaults>
</compile_context>

<pallas_src>
import functools

import jax
import jax.numpy as jnp
from jax import lax
from jax.experimental import pallas as pl
from jax.experimental.pallas import tpu as pltpu
from jax.experimental.pallas import tpu_sc as plsc

B, L, T, H = 8, 256, 512, 128

_NC, _NS = 2, 16
_NW = _NC * _NS
_TOK_PER_W = 4 * B * L // _NW


def _sc_gather(tok_idx, token_table):
  mesh = plsc.VectorSubcoreMesh(
      core_axis_name="c", subcore_axis_name="s",
      num_cores=_NC, num_subcores=_NS)

  @functools.partial(
      pl.kernel,
      out_type=jax.ShapeDtypeStruct((4 * B * L, H), jnp.float32),
      mesh=mesh,
      scratch_types=(
          pltpu.VMEM((128,), jnp.int32),
          pltpu.VMEM((128,), jnp.int32),
          pltpu.VMEM((128, H), jnp.float32),
          pltpu.VMEM((128, H), jnp.float32),
          pltpu.SemaphoreType.DMA,
          pltpu.SemaphoreType.DMA,
          pltpu.SemaphoreType.DMA,
          pltpu.SemaphoreType.DMA,
      ),
  )
  def gather_kernel(tok_idx_hbm, tok_tab, out,
                    idx_a, idx_b, rows_a, rows_b,
                    sem_i, sg0, sg1, sem_o):
    wid = lax.axis_index("s") * _NC + lax.axis_index("c")
    tb0 = wid * _TOK_PER_W
    tb1 = tb0 + 128
    ci0 = pltpu.async_copy(tok_idx_hbm.at[pl.ds(tb0, 128)], idx_a, sem_i)
    ci1 = pltpu.async_copy(tok_idx_hbm.at[pl.ds(tb1, 128)], idx_b, sg0)
    ci0.wait()
    cg0 = pltpu.async_copy(tok_tab.at[idx_a], rows_a, sem_i)
    ci1.wait()
    cg1 = pltpu.async_copy(tok_tab.at[idx_b], rows_b, sg1)
    cg0.wait()
    co0 = pltpu.async_copy(rows_a, out.at[pl.ds(tb0, 128)], sem_o)
    cg1.wait()
    co1 = pltpu.async_copy(rows_b, out.at[pl.ds(tb1, 128)], sem_o)
    co0.wait(); co1.wait()

  return gather_kernel(tok_idx, token_table)


_BPP = 4
_NT = 129
_NG = 65


def _tc_body(gat_ref, gid_ref, len_ref, tg_col_ref, gid_col_ref,
             tt_ref, gt_ref,
             pos_ref, sep_ref, g_ref, bln_ref,
             w1_ref, b1_ref, w2_ref, b2_ref,
             out_ref, mask_ref):
  f32 = jnp.float32
  p = pl.program_id(0)
  idx = lax.broadcasted_iota(jnp.int32, (1, L), 1)
  ii = lax.broadcasted_iota(jnp.int32, (L, L), 0)
  jj = lax.broadcasted_iota(jnp.int32, (L, L), 1)
  m_le = (ii <= jj).astype(f32)
  t_iota = lax.broadcasted_iota(jnp.int32, (T, L), 0)
  m_toks, m_seps = [], []
  for k in range(_BPP):
    n = len_ref[p * _BPP + k]
    gid = gid_ref[k]
    g_next = jnp.concatenate([gid[:, 1:], gid[:, -1:]], axis=1)
    sep = (idx + 1 < n) & (gid != g_next)
    sep_f = sep.astype(f32)
    cum = jnp.dot(sep_f, m_le, preferred_element_type=f32)
    sep_before = (cum - sep_f).astype(jnp.int32)
    total_sep = jnp.max(cum).astype(jnp.int32)
    len_pieces = n + total_sep
    dest_tok = (T - len_pieces) + idx + sep_before
    tok_ok = (idx < n) & (dest_tok >= 0)
    sep_ok = sep & (dest_tok + 1 >= 0)
    dt = jnp.where(tok_ok, dest_tok, T)
    ds = jnp.where(sep_ok, dest_tok + 1, T)
    m_toks.append((t_iota == dt).astype(f32))
    m_seps.append((t_iota == ds).astype(f32))

  tg_col = tg_col_ref[...].reshape(_BPP * L, 1)
  gc_col = gid_col_ref[...].reshape(_BPP * L, 1)
  oh_t = (tg_col == lax.broadcasted_iota(jnp.int32, (_BPP * L, _NT), 1))
  oh_g = (gc_col == lax.broadcasted_iota(jnp.int32, (_BPP * L, _NG), 1))
  x_time = jnp.dot(oh_t.astype(f32), tt_ref[...], preferred_element_type=f32)
  x_grp = jnp.dot(oh_g.astype(f32), gt_ref[...], preferred_element_type=f32)

  x = jnp.concatenate(
      [gat_ref[s].reshape(_BPP * L, H) for s in range(4)] + [x_time, x_grp],
      axis=-1)
  mu = jnp.mean(x, axis=-1, keepdims=True)
  xc = x - mu
  var = jnp.mean(xc * xc, axis=-1, keepdims=True)
  xn = xc * lax.rsqrt(var + 1e-5) * g_ref[...] + bln_ref[...]
  h = jnp.dot(xn, w1_ref[...], preferred_element_type=f32) + b1_ref[...]
  h = h * (1.0 / (1.0 + jnp.exp(-h)))
  ev = jnp.dot(h, w2_ref[...], preferred_element_type=f32) + b2_ref[...]

  for k in range(_BPP):
    ev_k = ev[k * L:(k + 1) * L]
    gathered = jnp.dot(m_toks[k], ev_k, preferred_element_type=f32)
    tok_hit = jnp.max(m_toks[k], axis=1, keepdims=True)
    sep_hit = jnp.max(m_seps[k], axis=1, keepdims=True)
    validf = jnp.maximum(tok_hit, sep_hit)
    merged = jnp.where(sep_hit > 0.0, sep_ref[...], gathered)
    out_ref[k] = (merged + pos_ref[...]) * validf
    mask_ref[k] = validf


def _tc_compute(gat4, gids, lengths, tg_col, gid_col, time_table, group_table,
                pos_table, sep_row, ln_g, ln_b, W1, b1, W2, b2):
  grid = (B // _BPP,)
  in_specs = [
      pl.BlockSpec((4, _BPP, L, H), lambda b: (0, b, 0, 0)),
      pl.BlockSpec((_BPP, 1, L), lambda b: (b, 0, 0)),
      pl.BlockSpec(memory_space=pltpu.SMEM),
      pl.BlockSpec((_BPP, L, 1), lambda b: (b, 0, 0)),
      pl.BlockSpec((_BPP, L, 1), lambda b: (b, 0, 0)),
      pl.BlockSpec((_NT, H), lambda b: (0, 0)),
      pl.BlockSpec((_NG, H), lambda b: (0, 0)),
      pl.BlockSpec((T, H), lambda b: (0, 0)),
      pl.BlockSpec((1, H), lambda b: (0, 0)),
      pl.BlockSpec((1, 6 * H), lambda b: (0, 0)),
      pl.BlockSpec((1, 6 * H), lambda b: (0, 0)),
      pl.BlockSpec((6 * H, 4 * H), lambda b: (0, 0)),
      pl.BlockSpec((1, 4 * H), lambda b: (0, 0)),
      pl.BlockSpec((4 * H, H), lambda b: (0, 0)),
      pl.BlockSpec((1, H), lambda b: (0, 0)),
  ]
  out_specs = [
      pl.BlockSpec((_BPP, T, H), lambda b: (b, 0, 0)),
      pl.BlockSpec((_BPP, T, 1), lambda b: (b, 0, 0)),
  ]
  out_shape = [
      jax.ShapeDtypeStruct((B, T, H), jnp.float32),
      jax.ShapeDtypeStruct((B, T, 1), jnp.float32),
  ]
  return pl.pallas_call(
      _tc_body, grid=grid, in_specs=in_specs, out_specs=out_specs,
      out_shape=out_shape,
  )(gat4, gids, lengths, tg_col, gid_col, time_table, group_table,
    pos_table, sep_row, ln_g, ln_b, W1, b1, W2, b2)


def kernel(history_tokens, history_post_tokens, history_author_tokens,
           history_action_tokens, history_time_gap, history_group_ids,
           lengths, token_table, time_table, group_table, pos_table,
           sep_token, ln_g, ln_b, W1, b1, W2, b2):
  tok_idx = jnp.concatenate([
      history_tokens.reshape(-1), history_post_tokens.reshape(-1),
      history_author_tokens.reshape(-1), history_action_tokens.reshape(-1),
  ]).astype(jnp.int32)
  rows = _sc_gather(tok_idx, token_table)

  gat4 = rows.reshape(4, B, L, H)
  gids = history_group_ids.astype(jnp.int32).reshape(B, 1, L)
  tg_col = history_time_gap.astype(jnp.int32).reshape(B, L, 1)
  gid_col = history_group_ids.astype(jnp.int32).reshape(B, L, 1)

  merged, maskf = _tc_compute(
      gat4, gids, lengths.astype(jnp.int32), tg_col, gid_col,
      time_table, group_table, pos_table,
      sep_token.reshape(1, H), ln_g.reshape(1, 6 * H), ln_b.reshape(1, 6 * H),
      W1, b1.reshape(1, 4 * H), W2, b2.reshape(1, H))
  return merged, maskf.reshape(B, T) > 0.5

# --- scband reference (transcript-rebuilt; emitter-appended) ---
"""Pipeline reference for scband-unified-sequential-tokenizer-5248450036151 (READ-ONLY COPY).

The authoritative reference and input builder live on the scoring server;
editing this copy changes nothing except your own understanding.
"""

import jax, jax.numpy as jnp
import numpy as np

B, L, T, H = 8, 256, 512, 128
VOCAB = 100000
TIME_GAP_BUCKET_COUNT = 128
GROUP_COUNT = 64


def _merge_indices(group_ids, lengths, T):
    Bn, Ln = group_ids.shape
    idx = jnp.arange(Ln, dtype=jnp.int32)
    n = lengths.astype(jnp.int32)[:, None]
    tok_in = idx[None, :] < n
    g_next = jnp.concatenate([group_ids[:, 1:], group_ids[:, -1:]], axis=1)
    sep = (idx[None, :] + 1 < n) & (group_ids != g_next)
    sep_i = sep.astype(jnp.int32)
    cum_sep = jnp.cumsum(sep_i, axis=1)
    sep_before = cum_sep - sep_i
    p_tok = idx[None, :] + sep_before
    len_pieces = lengths.astype(jnp.int32) + cum_sep[:, -1]
    dest_tok = T - len_pieces[:, None] + p_tok
    dest_sep = dest_tok + 1
    tok_ok = tok_in & (dest_tok >= 0)
    sep_ok = sep & (dest_sep >= 0)
    dt = jnp.where(tok_ok, dest_tok, T)
    ds = jnp.where(sep_ok, dest_sep, T)
    b_idx = jnp.arange(Bn)[:, None]
    src = jnp.zeros((Bn, T), dtype=jnp.int32)
    src = src.at[b_idx, dt].set(jnp.broadcast_to(idx[None, :], (Bn, Ln)), mode='drop')
    src = src.at[b_idx, ds].set(0, mode='drop')
    is_sep = jnp.zeros((Bn, T), dtype=bool)
    is_sep = is_sep.at[b_idx, ds].set(True, mode='drop')
    valid = jnp.zeros((Bn, T), dtype=bool)
    valid = valid.at[b_idx, dt].set(True, mode='drop')
    valid = valid.at[b_idx, ds].set(True, mode='drop')
    return src, is_sep, valid


def setup_inputs(seed: int = 0) -> dict:
    key = jax.random.key(seed)
    ks = jax.random.split(key, 20)
    inp = {}
    inp['history_tokens'] = jax.random.randint(ks[0], (B, L), 0, VOCAB)
    inp['history_post_tokens'] = jax.random.randint(ks[1], (B, L), 0, VOCAB)
    inp['history_author_tokens'] = jax.random.randint(ks[2], (B, L), 0, VOCAB)
    inp['history_action_tokens'] = jax.random.randint(ks[3], (B, L), 0, VOCAB)
    inp['history_time_gap'] = jax.random.randint(ks[4], (B, L), 0, TIME_GAP_BUCKET_COUNT + 1)
    inp['history_group_ids'] = jnp.sort(jax.random.randint(ks[5], (B, L), 0, GROUP_COUNT + 1), axis=-1)
    inp['lengths'] = jax.random.randint(ks[6], (B,), 0, L, dtype=jnp.int32)
    inp['token_table'] = jax.random.normal(ks[7], (VOCAB, H), dtype=jnp.float32) * 0.02
    tt = jax.random.normal(ks[8], (TIME_GAP_BUCKET_COUNT + 1, H), dtype=jnp.float32) * 0.02
    inp['time_table'] = tt.at[0].set(0.0)
    gt = jax.random.normal(ks[9], (GROUP_COUNT + 1, H), dtype=jnp.float32) * 0.02
    inp['group_table'] = gt.at[0].set(0.0)
    inp['pos_table'] = jax.random.normal(ks[10], (T, H), dtype=jnp.float32) * 0.02
    inp['sep_token'] = jax.random.normal(ks[11], (H,), dtype=jnp.float32) * 0.02
    inp['ln_g'] = jnp.ones((6 * H,), dtype=jnp.float32)
    inp['ln_b'] = jnp.zeros((6 * H,), dtype=jnp.float32)
    inp['W1'] = jax.random.normal(ks[12], (6 * H, 4 * H), dtype=jnp.float32) * 0.02
    inp['b1'] = jnp.zeros((4 * H,), dtype=jnp.float32)
    inp['W2'] = jax.random.normal(ks[13], (4 * H, H), dtype=jnp.float32) * 0.02
    inp['b2'] = jnp.zeros((H,), dtype=jnp.float32)
    return inp


def reference(history_tokens, history_post_tokens, history_author_tokens, history_action_tokens, history_time_gap, history_group_ids, lengths, token_table, time_table, group_table, pos_table, sep_token, ln_g, ln_b, W1, b1, W2, b2):
    h_hist = token_table[history_tokens]
    h_post = token_table[history_post_tokens]
    h_auth = token_table[history_author_tokens]
    h_act = token_table[history_action_tokens]
    h_time = time_table[jnp.clip(history_time_gap, 0, TIME_GAP_BUCKET_COUNT)]
    h_grp = group_table[history_group_ids]
    x = jnp.concatenate([h_hist, h_post, h_auth, h_act, h_time, h_grp], axis=-1)
    mu = x.mean(-1, keepdims=True)
    var = ((x - mu) ** 2).mean(-1, keepdims=True)
    x = (x - mu) / jnp.sqrt(var + 1e-5) * ln_g + ln_b
    x = jax.nn.silu(x @ W1 + b1)
    event_tokens = x @ W2 + b2
    src, is_sep, valid = _merge_indices(history_group_ids, lengths, T)
    gathered = event_tokens[np.arange(B)[:, None], src]
    merged = jnp.where(is_sep[..., None], sep_token, gathered)
    merged = jnp.where(valid[..., None], merged, 0.0)
    merged = merged + pos_table[None, :, :]
    merged = merged * valid[..., None].astype(merged.dtype)
    merged_mask = jnp.asarray(valid)
    return merged, merged_mask

if __name__ == "__main__":
    import jax
    _d = setup_inputs()
    print(jax.jit(kernel)(*tuple(_d.values())))

</pallas_src>

<mosaic_0001>
#map = affine_map<(d0, d1) -> (0)>
#map1 = affine_map<(d0, d1) -> (0, 0)>
module attributes {stable_mosaic.version = 14 : i64} {
  func.func @gather_kernel(%arg0: i32, %arg1: i32, %arg2: memref<8192xi32, #tpu.memory_space<hbm>>, %arg3: memref<100000x128xf32, #tpu.memory_space<hbm>>, %arg4: memref<8192x128xf32, #tpu.memory_space<hbm>>, %arg5: memref<128xi32, #tpu.memory_space<vmem>>, %arg6: memref<128xi32, #tpu.memory_space<vmem>>, %arg7: memref<128x128xf32, #tpu.memory_space<vmem>>, %arg8: memref<128x128xf32, #tpu.memory_space<vmem>>, %arg9: memref<!tpu.dma_semaphore, #tpu.memory_space<semaphore_mem>>, %arg10: memref<!tpu.dma_semaphore, #tpu.memory_space<semaphore_mem>>, %arg11: memref<!tpu.dma_semaphore, #tpu.memory_space<semaphore_mem>>, %arg12: memref<!tpu.dma_semaphore, #tpu.memory_space<semaphore_mem>>) attributes {dimension_semantics = [#tpu.dimension_semantics<core_parallel>, #tpu.dimension_semantics<subcore_parallel>], iteration_bounds = array<i64: 2, 16>, scalar_prefetch = 0 : i64, scratch_operands = 8 : i64, tpu.core_type = #tpu.core_type<sc_vector_subcore>, window_params = [{transform_indices = #map}, {transform_indices = #map1}, {transform_indices = #map1}]} {
    %mul3A = arith.constant 2 : i32
    %mul3A_0 = arith.muli %arg1, %mul3A : i32
    %add3A = arith.addi %mul3A_0, %arg0 : i32
    %mul3A_1 = arith.constant 256 : i32
    %mul3A_2 = arith.muli %add3A, %mul3A_1 : i32
    %add3A_3 = arith.constant 128 : i32
    %add3A_4 = arith.addi %mul3A_2, %add3A_3 : i32
    %dma_start3A = tpu.memref_slice %arg2[%mul3A_2] : memref<8192xi32, #tpu.memory_space<hbm>> -> memref<128xi32, #tpu.memory_space<hbm>>
    %dma_start3A_5 = tpu.memref_slice %arg2[%mul3A_2] : memref<8192xi32, #tpu.memory_space<hbm>> -> memref<128xi32, #tpu.memory_space<hbm>>
    tpu.enqueue_dma source(%dma_start3A_5 : memref<128xi32, #tpu.memory_space<hbm>>) target(%arg5 : memref<128xi32, #tpu.memory_space<vmem>>) target_semaphore(%arg9 : memref<!tpu.dma_semaphore, #tpu.memory_space<semaphore_mem>>)
    %dma_start3A_6 = tpu.memref_slice %arg2[%add3A_4] : memref<8192xi32, #tpu.memory_space<hbm>> -> memref<128xi32, #tpu.memory_space<hbm>>
    %dma_start3A_7 = tpu.memref_slice %arg2[%add3A_4] : memref<8192xi32, #tpu.memory_space<hbm>> -> memref<128xi32, #tpu.memory_space<hbm>>
    tpu.enqueue_dma source(%dma_start3A_7 : memref<128xi32, #tpu.memory_space<hbm>>) target(%arg6 : memref<128xi32, #tpu.memory_space<vmem>>) target_semaphore(%arg10 : memref<!tpu.dma_semaphore, #tpu.memory_space<semaphore_mem>>)
    %dma_wait3A = tpu.memref_slice %arg2[%mul3A_2] : memref<8192xi32, #tpu.memory_space<hbm>> -> memref<128xi32, #tpu.memory_space<hbm>>
    %dma_wait3A_8 = tpu.memref_slice %arg2[%mul3A_2] : memref<8192xi32, #tpu.memory_space<hbm>> -> memref<128xi32, #tpu.memory_space<hbm>>
    tpu.wait_dma2 semaphore(%arg9 : memref<!tpu.dma_semaphore, #tpu.memory_space<semaphore_mem>>) src(%dma_wait3A_8 : memref<128xi32, #tpu.memory_space<hbm>>) dst(%arg5 : memref<128xi32, #tpu.memory_space<vmem>>)
    %dma_start3A_9 = arith.constant 0 : i32
    %dma_start3A_10 = arith.constant 0 : i32
    %dma_start3A_11 = tpu.memref_slice %arg3[%dma_start3A_9, %dma_start3A_10] : memref<100000x128xf32, #tpu.memory_space<hbm>> -> memref<100000x128xf32, #tpu.memory_space<hbm>>
    tpu.enqueue_indirect_dma source(%dma_start3A_11 : memref<100000x128xf32, #tpu.memory_space<hbm>>) target(%arg7 : memref<128x128xf32, #tpu.memory_space<vmem>>) offsets(%arg5 : memref<128xi32, #tpu.memory_space<vmem>>) semaphore(%arg9 : memref<!tpu.dma_semaphore, #tpu.memory_space<semaphore_mem>>)
    %dma_wait3A_12 = tpu.memref_slice %arg2[%add3A_4] : memref<8192xi32, #tpu.memory_space<hbm>> -> memref<128xi32, #tpu.memory_space<hbm>>
    %dma_wait3A_13 = tpu.memref_slice %arg2[%add3A_4] : memref<8192xi32, #tpu.memory_space<hbm>> -> memref<128xi32, #tpu.memory_space<hbm>>
    tpu.wait_dma2 semaphore(%arg10 : memref<!tpu.dma_semaphore, #tpu.memory_space<semaphore_mem>>) src(%dma_wait3A_13 : memref<128xi32, #tpu.memory_space<hbm>>) dst(%arg6 : memref<128xi32, #tpu.memory_space<vmem>>)
    %dma_start3A_14 = arith.constant 0 : i32
    %dma_start3A_15 = arith.constant 0 : i32
    %dma_start3A_16 = tpu.memref_slice %arg3[%dma_start3A_14, %dma_start3A_15] : memref<100000x128xf32, #tpu.memory_space<hbm>> -> memref<100000x128xf32, #tpu.memory_space<hbm>>
    tpu.enqueue_indirect_dma source(%dma_start3A_16 : memref<100000x128xf32, #tpu.memory_space<hbm>>) target(%arg8 : memref<128x128xf32, #tpu.memory_space<vmem>>) offsets(%arg6 : memref<128xi32, #tpu.memory_space<vmem>>) semaphore(%arg11 : memref<!tpu.dma_semaphore, #tpu.memory_space<semaphore_mem>>)
    %dma_wait3A_17 = arith.constant 0 : i32
    %dma_wait3A_18 = arith.constant 0 : i32
    %dma_wait3A_19 = tpu.memref_slice %arg3[%dma_wait3A_17, %dma_wait3A_18] : memref<100000x128xf32, #tpu.memory_space<hbm>> -> memref<100000x128xf32, #tpu.memory_space<hbm>>
    tpu.wait_indirect_dma semaphore(%arg9 : memref<!tpu.dma_semaphore, #tpu.memory_space<semaphore_mem>>) src(%dma_wait3A_19 : memref<100000x128xf32, #tpu.memory_space<hbm>>) dst(%arg7 : memref<128x128xf32, #tpu.memory_space<vmem>>)
    %dma_start3A_20 = arith.constant 0 : i32
    %dma_start3A_21 = tpu.memref_slice %arg4[%mul3A_2, %dma_start3A_20] : memref<8192x128xf32, #tpu.memory_space<hbm>> -> memref<128x128xf32, #tpu.memory_space<hbm>>
    %dma_start3A_22 = arith.constant 0 : i32
    %dma_start3A_23 = tpu.memref_slice %arg4[%mul3A_2, %dma_start3A_22] : memref<8192x128xf32, #tpu.memory_space<hbm>> -> memref<128x128xf32, #tpu.memory_space<hbm>>
    tpu.enqueue_dma source(%arg7 : memref<128x128xf32, #tpu.memory_space<vmem>>) target(%dma_start3A_23 : memref<128x128xf32, #tpu.memory_space<hbm>>) target_semaphore(%arg12 : memref<!tpu.dma_semaphore, #tpu.memory_space<semaphore_mem>>)
    %dma_wait3A_24 = arith.constant 0 : i32
    %dma_wait3A_25 = arith.constant 0 : i32
    %dma_wait3A_26 = tpu.memref_slice %arg3[%dma_wait3A_24, %dma_wait3A_25] : memref<100000x128xf32, #tpu.memory_space<hbm>> -> memref<100000x128xf32, #tpu.memory_space<hbm>>
    tpu.wait_indirect_dma semaphore(%arg11 : memref<!tpu.dma_semaphore, #tpu.memory_space<semaphore_mem>>) src(%dma_wait3A_26 : memref<100000x128xf32, #tpu.memory_space<hbm>>) dst(%arg8 : memref<128x128xf32, #tpu.memory_space<vmem>>)
    %dma_start3A_27 = arith.constant 0 : i32
    %dma_start3A_28 = tpu.memref_slice %arg4[%add3A_4, %dma_start3A_27] : memref<8192x128xf32, #tpu.memory_space<hbm>> -> memref<128x128xf32, #tpu.memory_space<hbm>>
    %dma_start3A_29 = arith.constant 0 : i32
    %dma_start3A_30 = tpu.memref_slice %arg4[%add3A_4, %dma_start3A_29] : memref<8192x128xf32, #tpu.memory_space<hbm>> -> memref<128x128xf32, #tpu.memory_space<hbm>>
    tpu.enqueue_dma source(%arg8 : memref<128x128xf32, #tpu.memory_space<vmem>>) target(%dma_start3A_30 : memref<128x128xf32, #tpu.memory_space<hbm>>) target_semaphore(%arg12 : memref<!tpu.dma_semaphore, #tpu.memory_space<semaphore_mem>>)
    %dma_wait3A_31 = arith.constant 0 : i32
    %dma_wait3A_32 = tpu.memref_slice %arg4[%mul3A_2, %dma_wait3A_31] : memref<8192x128xf32, #tpu.memory_space<hbm>> -> memref<128x128xf32, #tpu.memory_space<hbm>>
    %dma_wait3A_33 = arith.constant 0 : i32
    %dma_wait3A_34 = tpu.memref_slice %arg4[%mul3A_2, %dma_wait3A_33] : memref<8192x128xf32, #tpu.memory_space<hbm>> -> memref<128x128xf32, #tpu.memory_space<hbm>>
    tpu.wait_dma2 semaphore(%arg12 : memref<!tpu.dma_semaphore, #tpu.memory_space<semaphore_mem>>) src(%arg7 : memref<128x128xf32, #tpu.memory_space<vmem>>) dst(%dma_wait3A_34 : memref<128x128xf32, #tpu.memory_space<hbm>>)
    %dma_wait3A_35 = arith.constant 0 : i32
    %dma_wait3A_36 = tpu.memref_slice %arg4[%add3A_4, %dma_wait3A_35] : memref<8192x128xf32, #tpu.memory_space<hbm>> -> memref<128x128xf32, #tpu.memory_space<hbm>>
    %dma_wait3A_37 = arith.constant 0 : i32
    %dma_wait3A_38 = tpu.memref_slice %arg4[%add3A_4, %dma_wait3A_37] : memref<8192x128xf32, #tpu.memory_space<hbm>> -> memref<128x128xf32, #tpu.memory_space<hbm>>
    tpu.wait_dma2 semaphore(%arg12 : memref<!tpu.dma_semaphore, #tpu.memory_space<semaphore_mem>>) src(%arg8 : memref<128x128xf32, #tpu.memory_space<vmem>>) dst(%dma_wait3A_38 : memref<128x128xf32, #tpu.memory_space<hbm>>)
    return
  }
}

module attributes {stable_mosaic.version = 14 : i64} {
  func.func @_tc_body(%arg0: i32, %arg1: memref<4x4x256x128xf32, #tpu.memory_space<vmem>>, %arg2: memref<4x1x256xi32, #tpu.memory_space<vmem>>, %arg3: memref<8xi32, #tpu.memory_space<smem>>, %arg4: memref<4x256x1xi32, #tpu.memory_space<vmem>>, %arg5: memref<4x256x1xi32, #tpu.memory_space<vmem>>, %arg6: memref<129x128xf32, #tpu.memory_space<vmem>>, %arg7: memref<65x128xf32, #tpu.memory_space<vmem>>, %arg8: memref<512x128xf32, #tpu.memory_space<vmem>>, %arg9: memref<1x128xf32, #tpu.memory_space<vmem>>, %arg10: memref<1x768xf32, #tpu.memory_space<vmem>>, %arg11: memref<1x768xf32, #tpu.memory_space<vmem>>, %arg12: memref<768x512xf32, #tpu.memory_space<vmem>>, %arg13: memref<1x512xf32, #tpu.memory_space<vmem>>, %arg14: memref<512x128xf32, #tpu.memory_space<vmem>>, %arg15: memref<1x128xf32, #tpu.memory_space<vmem>>, %arg16: memref<4x512x128xf32, #tpu.memory_space<vmem>>, %arg17: memref<4x512x1xf32, #tpu.memory_space<vmem>>) attributes {dimension_semantics = [#tpu.dimension_semantics<arbitrary>], iteration_bounds = array<i64: 2>, scalar_prefetch = 0 : i64, scratch_operands = 0 : i64, tpu.core_type = #tpu.core_type<tc>, window_params = [{transform_indices = @transform_0, window_bounds = array<i64: 4, 4, 256, 128>}, {transform_indices = @transform_1, window_bounds = array<i64: 4, 1, 256>}, {transform_indices = @transform_2, window_bounds = array<i64: 8>}, {transform_indices = @transform_3, window_bounds = array<i64: 4, 256, 1>}, {transform_indices = @transform_4, window_bounds = array<i64: 4, 256, 1>}, {pipeline_mode = #tpu.pipeline_mode<synchronous>, transform_indices = @transform_5, window_bounds = array<i64: 129, 128>}, {pipeline_mode = #tpu.pipeline_mode<synchronous>, transform_indices = @transform_6, window_bounds = array<i64: 65, 128>}, {pipeline_mode = #tpu.pipeline_mode<synchronous>, transform_indices = @transform_7, window_bounds = array<i64: 512, 128>}, {pipeline_mode = #tpu.pipeline_mode<synchronous>, transform_indices = @transform_8, window_bounds = array<i64: 1, 128>}, {pipeline_mode = #tpu.pipeline_mode<synchronous>, transform_indices = @transform_9, window_bounds = array<i64: 1, 768>}, {pipeline_mode = #tpu.pipeline_mode<synchronous>, transform_indices = @transform_10, window_bounds = array<i64: 1, 768>}, {pipeline_mode = #tpu.pipeline_mode<synchronous>, transform_indices = @transform_11, window_bounds = array<i64: 768, 512>}, {pipeline_mode = #tpu.pipeline_mode<synchronous>, transform_indices = @transform_12, window_bounds = array<i64: 1, 512>}, {pipeline_mode = #tpu.pipeline_mode<synchronous>, transform_indices = @transform_13, window_bounds = array<i64: 512, 128>}, {pipeline_mode = #tpu.pipeline_mode<synchronous>, transform_indices = @transform_14, window_bounds = array<i64: 1, 128>}, {transform_indices = @transform_15, window_bounds = array<i64: 4, 512, 128>}, {transform_indices = @transform_16, window_bounds = array<i64: 4, 512, 1>}]} {
    %iota3A = tpu.iota {dimensions = array<i32: 1>} : vector<1x256xi32>
    %iota3A_0 = tpu.iota {dimensions = array<i32: 0>} : vector<256x256xi32>
    %iota3A_1 = tpu.iota {dimensions = array<i32: 1>} : vector<256x256xi32>
    %le3A = arith.cmpi sle, %iota3A_0, %iota3A_1 : vector<256x256xi32>
    %convert_element_type3A = arith.extui %le3A : vector<256x256xi1> to vector<256x256xi32>
    %convert_element_type3A_2 = arith.sitofp %convert_element_type3A : vector<256x256xi32> to vector<256x256xf32>
    %iota3A_3 = tpu.iota {dimensions = array<i32: 0>} : vector<512x256xi32>
    %mul3A = arith.constant 4 : i32
    %mul3A_4 = arith.muli %arg0, %mul3A : i32
    %add3A = arith.constant 0 : i32
    %add3A_5 = arith.addi %mul3A_4, %add3A : i32
    %get3A = arith.index_cast %add3A_5 : i32 to index
    %get3A_6 = memref.load %arg3[%get3A] : memref<8xi32, #tpu.memory_space<smem>>
    %get3A_7 = arith.constant 0 : index
    %get3A_8 = arith.constant 0 : index
    %get3A_9 = arith.constant 0 : index
    %get3A_10 = vector.load %arg2[%get3A_7, %get3A_8, %get3A_9] : memref<4x1x256xi32, #tpu.memory_space<vmem>>, vector<1x1x256xi32>
    %get3A_11 = vector.shape_cast %get3A_10 : vector<1x1x256xi32> to vector<1x256xi32>
    %slice3A = vector.extract_strided_slice %get3A_11 {offsets = [0, 1], sizes = [1, 255], strides = [1, 1]} : vector<1x256xi32> to vector<1x255xi32>
    %slice3A_12 = vector.extract_strided_slice %get3A_11 {offsets = [0, 255], sizes = [1, 1], strides = [1, 1]} : vector<1x256xi32> to vector<1x1xi32>
    %concatenate3A = tpu.concatenate %slice3A, %slice3A_12 in 1 : vector<1x255xi32>, vector<1x1xi32> -> vector<1x256xi32>
    %add3A_13 = arith.constant 1 : i32
    %add3A_14 = vector.broadcast %add3A_13 : i32 to vector<1x256xi32>
    %add3A_15 = arith.addi %iota3A, %add3A_14 : vector<1x256xi32>
    %lt3A = vector.broadcast %get3A_6 : i32 to vector<1x256xi32>
    %lt3A_16 = arith.cmpi slt, %add3A_15, %lt3A : vector<1x256xi32>
    %ne3A = arith.cmpi ne, %get3A_11, %concatenate3A : vector<1x256xi32>
    %and3A = arith.andi %lt3A_16, %ne3A : vector<1x256xi1>
    %convert_element_type3A_17 = arith.extui %and3A : vector<1x256xi1> to vector<1x256xi32>
    %convert_element_type3A_18 = arith.sitofp %convert_element_type3A_17 : vector<1x256xi32> to vector<1x256xf32>
    %dot_general3A = arith.constant dense<0.000000e+00> : vector<1x256xf32>
    %dot_general3A_19 = tpu.matmul %convert_element_type3A_18, %convert_element_type3A_2, %dot_general3A {dimension_numbers = #tpu.dot_dimension_numbers<[1], [0], [0], [1], [0, 0, 1, 1], [], []>, transpose_lhs_hint = false} : vector<1x256xf32>, vector<256x256xf32>, vector<1x256xf32> -> vector<1x256xf32>
    %sub3A = arith.subf %dot_general3A_19, %convert_element_type3A_18 : vector<1x256xf32>
    %convert_element_type3A_20 = arith.fptosi %sub3A : vector<1x256xf32> to vector<1x256xi32>
    %reduce_max3A = vector.shape_cast %dot_general3A_19 : vector<1x256xf32> to vector<1x1x256xf32>
    %reduce_max3A_21 = arith.constant dense<0xFF800000> : vector<1xf32>
    %reduce_max3A_22 = vector.multi_reduction <maximumf>, %reduce_max3A, %reduce_max3A_21 [1, 2] : vector<1x1x256xf32> to vector<1xf32>
    %reduce_max3A_23 = vector.shape_cast %reduce_max3A_22 : vector<1xf32> to vector<1x1x1xf32>
    %reduce_max3A_24 = vector.extract %reduce_max3A_23[0, 0, 0] : f32 from vector<1x1x1xf32>
    %convert_element_type3A_25 = arith.fptosi %reduce_max3A_24 : f32 to i32
    %add3A_26 = arith.addi %get3A_6, %convert_element_type3A_25 : i32
    %sub3A_27 = arith.constant 512 : i32
    %sub3A_28 = arith.subi %sub3A_27, %add3A_26 : i32
    %add3A_29 = vector.broadcast %sub3A_28 : i32 to vector<1x256xi32>
    %add3A_30 = arith.addi %add3A_29, %iota3A : vector<1x256xi32>
    %add3A_31 = arith.addi %add3A_30, %convert_element_type3A_20 : vector<1x256xi32>
    %lt3A_32 = vector.broadcast %get3A_6 : i32 to vector<1x256xi32>
    %lt3A_33 = arith.cmpi slt, %iota3A, %lt3A_32 : vector<1x256xi32>
    %ge3A = arith.constant 0 : i32
    %ge3A_34 = vector.broadcast %ge3A : i32 to vector<1x256xi32>
    %ge3A_35 = arith.cmpi sge, %add3A_31, %ge3A_34 : vector<1x256xi32>
    %and3A_36 = arith.andi %lt3A_33, %ge3A_35 : vector<1x256xi1>
    %add3A_37 = arith.constant 1 : i32
    %add3A_38 = vector.broadcast %add3A_37 : i32 to vector<1x256xi32>
    %add3A_39 = arith.addi %add3A_31, %add3A_38 : vector<1x256xi32>
    %ge3A_40 = arith.constant 0 : i32
    %ge3A_41 = vector.broadcast %ge3A_40 : i32 to vector<1x256xi32>
    %ge3A_42 = arith.cmpi sge, %add3A_39, %ge3A_41 : vector<1x256xi32>
    %and3A_43 = arith.andi %and3A, %ge3A_42 : vector<1x256xi1>
    %jit3A = arith.constant 512 : i32
    %broadcast_in_dim3A = vector.broadcast %jit3A : i32 to vector<1x256xi32>
    %select_n3A = arith.select %and3A_36, %add3A_31, %broadcast_in_dim3A : vector<1x256xi1>, vector<1x256xi32>
    %add3A_44 = arith.constant 1 : i32
    %add3A_45 = vector.broadcast %add3A_44 : i32 to vector<1x256xi32>
    %add3A_46 = arith.addi %add3A_31, %add3A_45 : vector<1x256xi32>
    %jit3A_47 = arith.constant 512 : i32
    %broadcast_in_dim3A_48 = vector.broadcast %jit3A_47 : i32 to vector<1x256xi32>
    %select_n3A_49 = arith.select %and3A_43, %add3A_46, %broadcast_in_dim3A_48 : vector<1x256xi1>, vector<1x256xi32>
    %eq3A = vector.broadcast %select_n3A : vector<1x256xi32> to vector<512x256xi32>
    %eq3A_50 = arith.cmpi eq, %iota3A_3, %eq3A : vector<512x256xi32>
    %convert_element_type3A_51 = arith.extui %eq3A_50 : vector<512x256xi1> to vector<512x256xi32>
    %convert_element_type3A_52 = arith.sitofp %convert_element_type3A_51 : vector<512x256xi32> to vector<512x256xf32>
    %eq3A_53 = vector.broadcast %select_n3A_49 : vector<1x256xi32> to vector<512x256xi32>
    %eq3A_54 = arith.cmpi eq, %iota3A_3, %eq3A_53 : vector<512x256xi32>
    %convert_element_type3A_55 = arith.extui %eq3A_54 : vector<512x256xi1> to vector<512x256xi32>
    %convert_element_type3A_56 = arith.sitofp %convert_element_type3A_55 : vector<512x256xi32> to vector<512x256xf32>
    %mul3A_57 = arith.constant 4 : i32
    %mul3A_58 = arith.muli %arg0, %mul3A_57 : i32
    %add3A_59 = arith.constant 1 : i32
    %add3A_60 = arith.addi %mul3A_58, %add3A_59 : i32
    %get3A_61 = arith.index_cast %add3A_60 : i32 to index
    %get3A_62 = memref.load %arg3[%get3A_61] : memref<8xi32, #tpu.memory_space<smem>>
    %get3A_63 = arith.constant 1 : index
    %get3A_64 = arith.constant 0 : index
    %get3A_65 = arith.constant 0 : index
    %get3A_66 = vector.load %arg2[%get3A_63, %get3A_64, %get3A_65] : memref<4x1x256xi32, #tpu.memory_space<vmem>>, vector<1x1x256xi32>
    %get3A_67 = vector.shape_cast %get3A_66 : vector<1x1x256xi32> to vector<1x256xi32>
    %slice3A_68 = vector.extract_strided_slice %get3A_67 {offsets = [0, 1], sizes = [1, 255], strides = [1, 1]} : vector<1x256xi32> to vector<1x255xi32>
    %slice3A_69 = vector.extract_strided_slice %get3A_67 {offsets = [0, 255], sizes = [1, 1], strides = [1, 1]} : vector<1x256xi32> to vector<1x1xi32>
    %concatenate3A_70 = tpu.concatenate %slice3A_68, %slice3A_69 in 1 : vector<1x255xi32>, vector<1x1xi32> -> vector<1x256xi32>
    %add3A_71 = arith.constant 1 : i32
    %add3A_72 = vector.broadcast %add3A_71 : i32 to vector<1x256xi32>
    %add3A_73 = arith.addi %iota3A, %add3A_72 : vector<1x256xi32>
    %lt3A_74 = vector.broadcast %get3A_62 : i32 to vector<1x256xi32>
    %lt3A_75 = arith.cmpi slt, %add3A_73, %lt3A_74 : vector<1x256xi32>
    %ne3A_76 = arith.cmpi ne, %get3A_67, %concatenate3A_70 : vector<1x256xi32>
    %and3A_77 = arith.andi %lt3A_75, %ne3A_76 : vector<1x256xi1>
    %convert_element_type3A_78 = arith.extui %and3A_77 : vector<1x256xi1> to vector<1x256xi32>
    %convert_element_type3A_79 = arith.sitofp %convert_element_type3A_78 : vector<1x256xi32> to vector<1x256xf32>
    %dot_general3A_80 = arith.constant dense<0.000000e+00> : vector<1x256xf32>
    %dot_general3A_81 = tpu.matmul %convert_element_type3A_79, %convert_element_type3A_2, %dot_general3A_80 {dimension_numbers = #tpu.dot_dimension_numbers<[1], [0], [0], [1], [0, 0, 1, 1], [], []>, transpose_lhs_hint = false} : vector<1x256xf32>, vector<256x256xf32>, vector<1x256xf32> -> vector<1x256xf32>
    %sub3A_82 = arith.subf %dot_general3A_81, %convert_element_type3A_79 : vector<1x256xf32>
    %convert_element_type3A_83 = arith.fptosi %sub3A_82 : vector<1x256xf32> to vector<1x256xi32>
    %reduce_max3A_84 = vector.shape_cast %dot_general3A_81 : vector<1x256xf32> to vector<1x1x256xf32>
    %reduce_max3A_85 = arith.constant dense<0xFF800000> : vector<1xf32>
    %reduce_max3A_86 = vector.multi_reduction <maximumf>, %reduce_max3A_84, %reduce_max3A_85 [1, 2] : vector<1x1x256xf32> to vector<1xf32>
    %reduce_max3A_87 = vector.shape_cast %reduce_max3A_86 : vector<1xf32> to vector<1x1x1xf32>
    %reduce_max3A_88 = vector.extract %reduce_max3A_87[0, 0, 0] : f32 from vector<1x1x1xf32>
    %convert_element_type3A_89 = arith.fptosi %reduce_max3A_88 : f32 to i32
    %add3A_90 = arith.addi %get3A_62, %convert_element_type3A_89 : i32
    %sub3A_91 = arith.constant 512 : i32
    %sub3A_92 = arith.subi %sub3A_91, %add3A_90 : i32
    %add3A_93 = vector.broadcast %sub3A_92 : i32 to vector<1x256xi32>
    %add3A_94 = arith.addi %add3A_93, %iota3A : vector<1x256xi32>
    %add3A_95 = arith.addi %add3A_94, %convert_element_type3A_83 : vector<1x256xi32>
    %lt3A_96 = vector.broadcast %get3A_62 : i32 to vector<1x256xi32>
    %lt3A_97 = arith.cmpi slt, %iota3A, %lt3A_96 : vector<1x256xi32>
    %ge3A_98 = arith.constant 0 : i32
    %ge3A_99 = vector.broadcast %ge3A_98 : i32 to vector<1x256xi32>
    %ge3A_100 = arith.cmpi sge, %add3A_95, %ge3A_99 : vector<1x256xi32>
    %and3A_101 = arith.andi %lt3A_97, %ge3A_100 : vector<1x256xi1>
    %add3A_102 = arith.constant 1 : i32
    %add3A_103 = vector.broadcast %add3A_102 : i32 to vector<1x256xi32>
    %add3A_104 = arith.addi %add3A_95, %add3A_103 : vector<1x256xi32>
    %ge3A_105 = arith.constant 0 : i32
    %ge3A_106 = vector.broadcast %ge3A_105 : i32 to vector<1x256xi32>
    %ge3A_107 = arith.cmpi sge, %add3A_104, %ge3A_106 : vector<1x256xi32>
    %and3A_108 = arith.andi %and3A_77, %ge3A_107 : vector<1x256xi1>
    %jit3A_109 = arith.constant 512 : i32
    %broadcast_in_dim3A_110 = vector.broadcast %jit3A_109 : i32 to vector<1x256xi32>
    %select_n3A_111 = arith.select %and3A_101, %add3A_95, %broadcast_in_dim3A_110 : vector<1x256xi1>, vector<1x256xi32>
    %add3A_112 = arith.constant 1 : i32
    %add3A_113 = vector.broadcast %add3A_112 : i32 to vector<1x256xi32>
    %add3A_114 = arith.addi %add3A_95, %add3A_113 : vector<1x256xi32>
    %jit3A_115 = arith.constant 512 : i32
    %broadcast_in_dim3A_116 = vector.broadcast %jit3A_115 : i32 to vector<1x256xi32>
    %select_n3A_117 = arith.select %and3A_108, %add3A_114, %broadcast_in_dim3A_116 : vector<1x256xi1>, vector<1x256xi32>
    %eq3A_118 = vector.broadcast %select_n3A_111 : vector<1x256xi32> to vector<512x256xi32>
    %eq3A_119 = arith.cmpi eq, %iota3A_3, %eq3A_118 : vector<512x256xi32>
    %convert_element_type3A_120 = arith.extui %eq3A_119 : vector<512x256xi1> to vector<512x256xi32>
    %convert_element_type3A_121 = arith.sitofp %convert_element_type3A_120 : vector<512x256xi32> to vector<512x256xf32>
    %eq3A_122 = vector.broadcast %select_n3A_117 : vector<1x256xi32> to vector<512x256xi32>
    %eq3A_123 = arith.cmpi eq, %iota3A_3, %eq3A_122 : vector<512x256xi32>
    %convert_element_type3A_124 = arith.extui %eq3A_123 : vector<512x256xi1> to vector<512x256xi32>
    %convert_element_type3A_125 = arith.sitofp %convert_element_type3A_124 : vector<512x256xi32> to vector<512x256xf32>
    %mul3A_126 = arith.constant 4 : i32
    %mul3A_127 = arith.muli %arg0, %mul3A_126 : i32
    %add3A_128 = arith.constant 2 : i32
    %add3A_129 = arith.addi %mul3A_127, %add3A_128 : i32
    %get3A_130 = arith.index_cast %add3A_129 : i32 to index
    %get3A_131 = memref.load %arg3[%get3A_130] : memref<8xi32, #tpu.memory_space<smem>>
    %get3A_132 = arith.constant 2 : index
    %get3A_133 = arith.constant 0 : index
    %get3A_134 = arith.constant 0 : index
    %get3A_135 = vector.load %arg2[%get3A_132, %get3A_133, %get3A_134] : memref<4x1x256xi32, #tpu.memory_space<vmem>>, vector<1x1x256xi32>
    %get3A_136 = vector.shape_cast %get3A_135 : vector<1x1x256xi32> to vector<1x256xi32>
    %slice3A_137 = vector.extract_strided_slice %get3A_136 {offsets = [0, 1], sizes = [1, 255], strides = [1, 1]} : vector<1x256xi32> to vector<1x255xi32>
    %slice3A_138 = vector.extract_strided_slice %get3A_136 {offsets = [0, 255], sizes = [1, 1], strides = [1, 1]} : vector<1x256xi32> to vector<1x1xi32>
    %concatenate3A_139 = tpu.concatenate %slice3A_137, %slice3A_138 in 1 : vector<1x255xi32>, vector<1x1xi32> -> vector<1x256xi32>
    %add3A_140 = arith.constant 1 : i32
    %add3A_141 = vector.broadcast %add3A_140 : i32 to vector<1x256xi32>
    %add3A_142 = arith.addi %iota3A, %add3A_141 : vector<1x256xi32>
    %lt3A_143 = vector.broadcast %get3A_131 : i32 to vector<1x256xi32>
    %lt3A_144 = arith.cmpi slt, %add3A_142, %lt3A_143 : vector<1x256xi32>
    %ne3A_145 = arith.cmpi ne, %get3A_136, %concatenate3A_139 : vector<1x256xi32>
    %and3A_146 = arith.andi %lt3A_144, %ne3A_145 : vector<1x256xi1>
    %convert_element_type3A_147 = arith.extui %and3A_146 : vector<1x256xi1> to vector<1x256xi32>
    %convert_element_type3A_148 = arith.sitofp %convert_element_type3A_147 : vector<1x256xi32> to vector<1x256xf32>
    %dot_general3A_149 = arith.constant dense<0.000000e+00> : vector<1x256xf32>
    %dot_general3A_150 = tpu.matmul %convert_element_type3A_148, %convert_element_type3A_2, %dot_general3A_149 {dimension_numbers = #tpu.dot_dimension_numbers<[1], [0], [0], [1], [0, 0, 1, 1], [], []>, transpose_lhs_hint = false} : vector<1x256xf32>, vector<256x256xf32>, vector<1x256xf32> -> vector<1x256xf32>
    %sub3A_151 = arith.subf %dot_general3A_150, %convert_element_type3A_148 : vector<1x256xf32>
    %convert_element_type3A_152 = arith.fptosi %sub3A_151 : vector<1x256xf32> to vector<1x256xi32>
    %reduce_max3A_153 = vector.shape_cast %dot_general3A_150 : vector<1x256xf32> to vector<1x1x256xf32>
    %reduce_max3A_154 = arith.constant dense<0xFF800000> : vector<1xf32>
    %reduce_max3A_155 = vector.multi_reduction <maximumf>, %reduce_max3A_153, %reduce_max3A_154 [1, 2] : vector<1x1x256xf32> to vector<1xf32>
    %reduce_max3A_156 = vector.shape_cast %reduce_max3A_155 : vector<1xf32> to vector<1x1x1xf32>
    %reduce_max3A_157 = vector.extract %reduce_max3A_156[0, 0, 0] : f32 from vector<1x1x1xf32>
    %convert_element_type3A_158 = arith.fptosi %reduce_max3A_157 : f32 to i32
    %add3A_159 = arith.addi %get3A_131, %convert_element_type3A_158 : i32
    %sub3A_160 = arith.constant 512 : i32
    %sub3A_161 = arith.subi %sub3A_160, %add3A_159 : i32
    %add3A_162 = vector.broadcast %sub3A_161 : i32 to vector<1x256xi32>
    %add3A_163 = arith.addi %add3A_162, %iota3A : vector<1x256xi32>
    %add3A_164 = arith.addi %add3A_163, %convert_element_type3A_152 : vector<1x256xi32>
    %lt3A_165 = vector.broadcast %get3A_131 : i32 to vector<1x256xi32>
    %lt3A_166 = arith.cmpi slt, %iota3A, %lt3A_165 : vector<1x256xi32>
    %ge3A_167 = arith.constant 0 : i32
    %ge3A_168 = vector.broadcast %ge3A_167 : i32 to vector<1x256xi32>
    %ge3A_169 = arith.cmpi sge, %add3A_164, %ge3A_168 : vector<1x256xi32>
    %and3A_170 = arith.andi %lt3A_166, %ge3A_169 : vector<1x256xi1>
    %add3A_171 = arith.constant 1 : i32
    %add3A_172 = vector.broadcast %add3A_171 : i32 to vector<1x256xi32>
    %add3A_173 = arith.addi %add3A_164, %add3A_172 : vector<1x256xi32>
    %ge3A_174 = arith.constant 0 : i32
    %ge3A_175 = vector.broadcast %ge3A_174 : i32 to vector<1x256xi32>
    %ge3A_176 = arith.cmpi sge, %add3A_173, %ge3A_175 : vector<1x256xi32>
    %and3A_177 = arith.andi %and3A_146, %ge3A_176 : vector<1x256xi1>
    %jit3A_178 = arith.constant 512 : i32
    %broadcast_in_dim3A_179 = vector.broadcast %jit3A_178 : i32 to vector<1x256xi32>
    %select_n3A_180 = arith.select %and3A_170, %add3A_164, %broadcast_in_dim3A_179 : vector<1x256xi1>, vector<1x256xi32>
    %add3A_181 = arith.constant 1 : i32
    %add3A_182 = vector.broadcast %add3A_181 : i32 to vector<1x256xi32>
    %add3A_183 = arith.addi %add3A_164, %add3A_182 : vector<1x256xi32>
    %jit3A_184 = arith.constant 512 : i32
    %broadcast_in_dim3A_185 = vector.broadcast %jit3A_184 : i32 to vector<1x256xi32>
    %select_n3A_186 = arith.select %and3A_177, %add3A_183, %broadcast_in_dim3A_185 : vector<1x256xi1>, vector<1x256xi32>
    %eq3A_187 = vector.broadcast %select_n3A_180 : vector<1x256xi32> to vector<512x256xi32>
    %eq3A_188 = arith.cmpi eq, %iota3A_3, %eq3A_187 : vector<512x256xi32>
    %convert_element_type3A_189 = arith.extui %eq3A_188 : vector<512x256xi1> to vector<512x256xi32>
    %convert_element_type3A_190 = arith.sitofp %convert_element_type3A_189 : vector<512x256xi32> to vector<512x256xf32>
    %eq3A_191 = vector.broadcast %select_n3A_186 : vector<1x256xi32> to vector<512x256xi32>
    %eq3A_192 = arith.cmpi eq, %iota3A_3, %eq3A_191 : vector<512x256xi32>
    %convert_element_type3A_193 = arith.extui %eq3A_192 : vector<512x256xi1> to vector<512x256xi32>
    %convert_element_type3A_194 = arith.sitofp %convert_element_type3A_193 : vector<512x256xi32> to vector<512x256xf32>
    %mul3A_195 = arith.constant 4 : i32
    %mul3A_196 = arith.muli %arg0, %mul3A_195 : i32
    %add3A_197 = arith.constant 3 : i32
    %add3A_198 = arith.addi %mul3A_196, %add3A_197 : i32
    %get3A_199 = arith.index_cast %add3A_198 : i32 to index
    %get3A_200 = memref.load %arg3[%get3A_199] : memref<8xi32, #tpu.memory_space<smem>>
    %get3A_201 = arith.constant 3 : index
    %get3A_202 = arith.constant 0 : index
    %get3A_203 = arith.constant 0 : index
    %get3A_204 = vector.load %arg2[%get3A_201, %get3A_202, %get3A_203] : memref<4x1x256xi32, #tpu.memory_space<vmem>>, vector<1x1x256xi32>
    %get3A_205 = vector.shape_cast %get3A_204 : vector<1x1x256xi32> to vector<1x256xi32>
    %slice3A_206 = vector.extract_strided_slice %get3A_205 {offsets = [0, 1], sizes = [1, 255], strides = [1, 1]} : vector<1x256xi32> to vector<1x255xi32>
    %slice3A_207 = vector.extract_strided_slice %get3A_205 {offsets = [0, 255], sizes = [1, 1], strides = [1, 1]} : vector<1x256xi32> to vector<1x1xi32>
    %concatenate3A_208 = tpu.concatenate %slice3A_206, %slice3A_207 in 1 : vector<1x255xi32>, vector<1x1xi32> -> vector<1x256xi32>
    %add3A_209 = arith.constant 1 : i32
    %add3A_210 = vector.broadcast %add3A_209 : i32 to vector<1x256xi32>
    %add3A_211 = arith.addi %iota3A, %add3A_210 : vector<1x256xi32>
    %lt3A_212 = vector.broadcast %get3A_200 : i32 to vector<1x256xi32>
    %lt3A_213 = arith.cmpi slt, %add3A_211, %lt3A_212 : vector<1x256xi32>
    %ne3A_214 = arith.cmpi ne, %get3A_205, %concatenate3A_208 : vector<1x256xi32>
    %and3A_215 = arith.andi %lt3A_213, %ne3A_214 : vector<1x256xi1>
    %convert_element_type3A_216 = arith.extui %and3A_215 : vector<1x256xi1> to vector<1x256xi32>
    %convert_element_type3A_217 = arith.sitofp %convert_element_type3A_216 : vector<1x256xi32> to vector<1x256xf32>
    %dot_general3A_218 = arith.constant dense<0.000000e+00> : vector<1x256xf32>
    %dot_general3A_219 = tpu.matmul %convert_element_type3A_217, %convert_element_type3A_2, %dot_general3A_218 {dimension_numbers = #tpu.dot_dimension_numbers<[1], [0], [0], [1], [0, 0, 1, 1], [], []>, transpose_lhs_hint = false} : vector<1x256xf32>, vector<256x256xf32>, vector<1x256xf32> -> vector<1x256xf32>
    %sub3A_220 = arith.subf %dot_general3A_219, %convert_element_type3A_217 : vector<1x256xf32>
    %convert_element_type3A_221 = arith.fptosi %sub3A_220 : vector<1x256xf32> to vector<1x256xi32>
    %reduce_max3A_222 = vector.shape_cast %dot_general3A_219 : vector<1x256xf32> to vector<1x1x256xf32>
    %reduce_max3A_223 = arith.constant dense<0xFF800000> : vector<1xf32>
    %reduce_max3A_224 = vector.multi_reduction <maximumf>, %reduce_max3A_222, %reduce_max3A_223 [1, 2] : vector<1x1x256xf32> to vector<1xf32>
    %reduce_max3A_225 = vector.shape_cast %reduce_max3A_224 : vector<1xf32> to vector<1x1x1xf32>
    %reduce_max3A_226 = vector.extract %reduce_max3A_225[0, 0, 0] : f32 from vector<1x1x1xf32>
    %convert_element_type3A_227 = arith.fptosi %reduce_max3A_226 : f32 to i32
    %add3A_228 = arith.addi %get3A_200, %convert_element_type3A_227 : i32
    %sub3A_229 = arith.constant 512 : i32
    %sub3A_230 = arith.subi %sub3A_229, %add3A_228 : i32
    %add3A_231 = vector.broadcast %sub3A_230 : i32 to vector<1x256xi32>
    %add3A_232 = arith.addi %add3A_231, %iota3A : vector<1x256xi32>
    %add3A_233 = arith.addi %add3A_232, %convert_element_type3A_221 : vector<1x256xi32>
    %lt3A_234 = vector.broadcast %get3A_200 : i32 to vector<1x256xi32>
    %lt3A_235 = arith.cmpi slt, %iota3A, %lt3A_234 : vector<1x256xi32>
    %ge3A_236 = arith.constant 0 : i32
    %ge3A_237 = vector.broadcast %ge3A_236 : i32 to vector<1x256xi32>
    %ge3A_238 = arith.cmpi sge, %add3A_233, %ge3A_237 : vector<1x256xi32>
    %and3A_239 = arith.andi %lt3A_235, %ge3A_238 : vector<1x256xi1>
    %add3A_240 = arith.constant 1 : i32
    %add3A_241 = vector.broadcast %add3A_240 : i32 to vector<1x256xi32>
    %add3A_242 = arith.addi %add3A_233, %add3A_241 : vector<1x256xi32>
    %ge3A_243 = arith.constant 0 : i32
    %ge3A_244 = vector.broadcast %ge3A_243 : i32 to vector<1x256xi32>
    %ge3A_245 = arith.cmpi sge, %add3A_242, %ge3A_244 : vector<1x256xi32>
    %and3A_246 = arith.andi %and3A_215, %ge3A_245 : vector<1x256xi1>
    %jit3A_247 = arith.constant 512 : i32
    %broadcast_in_dim3A_248 = vector.broadcast %jit3A_247 : i32 to vector<1x256xi32>
    %select_n3A_249 = arith.select %and3A_239, %add3A_233, %broadcast_in_dim3A_248 : vector<1x256xi1>, vector<1x256xi32>
    %add3A_250 = arith.constant 1 : i32
    %add3A_251 = vector.broadcast %add3A_250 : i32 to vector<1x256xi32>
    %add3A_252 = arith.addi %add3A_233, %add3A_251 : vector<1x256xi32>
    %jit3A_253 = arith.constant 512 : i32
    %broadcast_in_dim3A_254 = vector.broadcast %jit3A_253 : i32 to vector<1x256xi32>
    %select_n3A_255 = arith.select %and3A_246, %add3A_252, %broadcast_in_dim3A_254 : vector<1x256xi1>, vector<1x256xi32>
    %eq3A_256 = vector.broadcast %select_n3A_249 : vector<1x256xi32> to vector<512x256xi32>
    %eq3A_257 = arith.cmpi eq, %iota3A_3, %eq3A_256 : vector<512x256xi32>
    %convert_element_type3A_258 = arith.extui %eq3A_257 : vector<512x256xi1> to vector<512x256xi32>
    %convert_element_type3A_259 = arith.sitofp %convert_element_type3A_258 : vector<512x256xi32> to vector<512x256xf32>
    %eq3A_260 = vector.broadcast %select_n3A_255 : vector<1x256xi32> to vector<512x256xi32>
    %eq3A_261 = arith.cmpi eq, %iota3A_3, %eq3A_260 : vector<512x256xi32>
    %convert_element_type3A_262 = arith.extui %eq3A_261 : vector<512x256xi1> to vector<512x256xi32>
    %convert_element_type3A_263 = arith.sitofp %convert_element_type3A_262 : vector<512x256xi32> to vector<512x256xf32>
    %get3A_264 = arith.constant 0 : index
    %get3A_265 = arith.constant 0 : index
    %get3A_266 = arith.constant 0 : index
    %get3A_267 = vector.load %arg4[%get3A_264, %get3A_265, %get3A_266] : memref<4x256x1xi32, #tpu.memory_space<vmem>>, vector<4x256x1xi32>
    %reshape3A = vector.shape_cast %get3A_267 : vector<4x256x1xi32> to vector<1024x1xi32>
    %get3A_268 = arith.constant 0 : index
    %get3A_269 = arith.constant 0 : index
    %get3A_270 = arith.constant 0 : index
    %get3A_271 = vector.load %arg5[%get3A_268, %get3A_269, %get3A_270] : memref<4x256x1xi32, #tpu.memory_space<vmem>>, vector<4x256x1xi32>
    %reshape3A_272 = vector.shape_cast %get3A_271 : vector<4x256x1xi32> to vector<1024x1xi32>
    %iota3A_273 = tpu.iota {dimensions = array<i32: 1>} : vector<1024x129xi32>
    %eq3A_274 = vector.broadcast %reshape3A : vector<1024x1xi32> to vector<1024x129xi32>
    %eq3A_275 = arith.cmpi eq, %eq3A_274, %iota3A_273 : vector<1024x129xi32>
    %iota3A_276 = tpu.iota {dimensions = array<i32: 1>} : vector<1024x65xi32>
    %eq3A_277 = vector.broadcast %reshape3A_272 : vector<1024x1xi32> to vector<1024x65xi32>
    %eq3A_278 = arith.cmpi eq, %eq3A_277, %iota3A_276 : vector<1024x65xi32>
    %convert_element_type3A_279 = arith.extui %eq3A_275 : vector<1024x129xi1> to vector<1024x129xi32>
    %convert_element_type3A_280 = arith.sitofp %convert_element_type3A_279 : vector<1024x129xi32> to vector<1024x129xf32>
    %get3A_281 = arith.constant 0 : index
    %get3A_282 = arith.constant 0 : index
    %get3A_283 = vector.load %arg6[%get3A_281, %get3A_282] : memref<129x128xf32, #tpu.memory_space<vmem>>, vector<129x128xf32>
    %dot_general3A_284 = arith.constant dense<0.000000e+00> : vector<1024x128xf32>
    %dot_general3A_285 = tpu.matmul %convert_element_type3A_280, %get3A_283, %dot_general3A_284 {dimension_numbers = #tpu.dot_dimension_numbers<[1], [0], [0], [1], [0, 0, 1, 1], [], []>, transpose_lhs_hint = false} : vector<1024x129xf32>, vector<129x128xf32>, vector<1024x128xf32> -> vector<1024x128xf32>
    %convert_element_type3A_286 = arith.extui %eq3A_278 : vector<1024x65xi1> to vector<1024x65xi32>
    %convert_element_type3A_287 = arith.sitofp %convert_element_type3A_286 : vector<1024x65xi32> to vector<1024x65xf32>
    %get3A_288 = arith.constant 0 : index
    %get3A_289 = arith.constant 0 : index
    %get3A_290 = vector.load %arg7[%get3A_288, %get3A_289] : memref<65x128xf32, #tpu.memory_space<vmem>>, vector<65x128xf32>
    %dot_general3A_291 = arith.constant dense<0.000000e+00> : vector<1024x128xf32>
    %dot_general3A_292 = tpu.matmul %convert_element_type3A_287, %get3A_290, %dot_general3A_291 {dimension_numbers = #tpu.dot_dimension_numbers<[1], [0], [0], [1], [0, 0, 1, 1], [], []>, transpose_lhs_hint = false} : vector<1024x65xf32>, vector<65x128xf32>, vector<1024x128xf32> -> vector<1024x128xf32>
    %get3A_293 = arith.constant 0 : index
    %get3A_294 = arith.constant 0 : index
    %get3A_295 = arith.constant 0 : index
    %get3A_296 = arith.constant 0 : index
    %get3A_297 = vector.load %arg1[%get3A_293, %get3A_294, %get3A_295, %get3A_296] : memref<4x4x256x128xf32, #tpu.memory_space<vmem>>, vector<1x4x256x128xf32>
    %get3A_298 = vector.shape_cast %get3A_297 : vector<1x4x256x128xf32> to vector<4x256x128xf32>
    %reshape3A_299 = vector.shape_cast %get3A_298 : vector<4x256x128xf32> to vector<1024x128xf32>
    %get3A_300 = arith.constant 1 : index
    %get3A_301 = arith.constant 0 : index
    %get3A_302 = arith.constant 0 : index
    %get3A_303 = arith.constant 0 : index
    %get3A_304 = vector.load %arg1[%get3A_300, %get3A_301, %get3A_302, %get3A_303] : memref<4x4x256x128xf32, #tpu.memory_space<vmem>>, vector<1x4x256x128xf32>
    %get3A_305 = vector.shape_cast %get3A_304 : vector<1x4x256x128xf32> to vector<4x256x128xf32>
    %reshape3A_306 = vector.shape_cast %get3A_305 : vector<4x256x128xf32> to vector<1024x128xf32>
    %get3A_307 = arith.constant 2 : index
    %get3A_308 = arith.constant 0 : index
    %get3A_309 = arith.constant 0 : index
    %get3A_310 = arith.constant 0 : index
    %get3A_311 = vector.load %arg1[%get3A_307, %get3A_308, %get3A_309, %get3A_310] : memref<4x4x256x128xf32, #tpu.memory_space<vmem>>, vector<1x4x256x128xf32>
    %get3A_312 = vector.shape_cast %get3A_311 : vector<1x4x256x128xf32> to vector<4x256x128xf32>
    %reshape3A_313 = vector.shape_cast %get3A_312 : vector<4x256x128xf32> to vector<1024x128xf32>
    %get3A_314 = arith.constant 3 : index
    %get3A_315 = arith.constant 0 : index
    %get3A_316 = arith.constant 0 : index
    %get3A_317 = arith.constant 0 : index
    %get3A_318 = vector.load %arg1[%get3A_314, %get3A_315, %get3A_316, %get3A_317] : memref<4x4x256x128xf32, #tpu.memory_space<vmem>>, vector<1x4x256x128xf32>
    %get3A_319 = vector.shape_cast %get3A_318 : vector<1x4x256x128xf32> to vector<4x256x128xf32>
    %reshape3A_320 = vector.shape_cast %get3A_319 : vector<4x256x128xf32> to vector<1024x128xf32>
    %concatenate3A_321 = tpu.concatenate %reshape3A_299, %reshape3A_306, %reshape3A_313, %reshape3A_320, %dot_general3A_285, %dot_general3A_292 in 1 : vector<1024x128xf32>, vector<1024x128xf32>, vector<1024x128xf32>, vector<1024x128xf32>, vector<1024x128xf32>, vector<1024x128xf32> -> vector<1024x768xf32>
    %reduce_sum3A = arith.constant dense<0.000000e+00> : vector<1024xf32>
    %reduce_sum3A_322 = vector.multi_reduction <add>, %concatenate3A_321, %reduce_sum3A [1] : vector<1024x768xf32> to vector<1024xf32>
    %broadcast_in_dim3A_323 = vector.shape_cast %reduce_sum3A_322 : vector<1024xf32> to vector<1024x1xf32>
    %div3A = arith.constant 7.680000e+02 : f32
    %div3A_324 = vector.broadcast %div3A : f32 to vector<1024x1xf32>
    %div3A_325 = arith.divf %broadcast_in_dim3A_323, %div3A_324 : vector<1024x1xf32>
    %sub3A_326 = vector.broadcast %div3A_325 : vector<1024x1xf32> to vector<1024x768xf32>
    %sub3A_327 = arith.subf %concatenate3A_321, %sub3A_326 : vector<1024x768xf32>
    %mul3A_328 = arith.mulf %sub3A_327, %sub3A_327 : vector<1024x768xf32>
    %reduce_sum3A_329 = arith.constant dense<0.000000e+00> : vector<1024xf32>
    %reduce_sum3A_330 = vector.multi_reduction <add>, %mul3A_328, %reduce_sum3A_329 [1] : vector<1024x768xf32> to vector<1024xf32>
    %broadcast_in_dim3A_331 = vector.shape_cast %reduce_sum3A_330 : vector<1024xf32> to vector<1024x1xf32>
    %div3A_332 = arith.constant 7.680000e+02 : f32
    %div3A_333 = vector.broadcast %div3A_332 : f32 to vector<1024x1xf32>
    %div3A_334 = arith.divf %broadcast_in_dim3A_331, %div3A_333 : vector<1024x1xf32>
    %add3A_335 = arith.constant 9.99999974E-6 : f32
    %add3A_336 = vector.broadcast %add3A_335 : f32 to vector<1024x1xf32>
    %add3A_337 = arith.addf %div3A_334, %add3A_336 : vector<1024x1xf32>
    %rsqrt3A = math.rsqrt %add3A_337 : vector<1024x1xf32>
    %mul3A_338 = vector.broadcast %rsqrt3A : vector<1024x1xf32> to vector<1024x768xf32>
    %mul3A_339 = arith.mulf %sub3A_327, %mul3A_338 : vector<1024x768xf32>
    %get3A_340 = arith.constant 0 : index
    %get3A_341 = arith.constant 0 : index
    %get3A_342 = vector.load %arg10[%get3A_340, %get3A_341] : memref<1x768xf32, #tpu.memory_space<vmem>>, vector<1x768xf32>
    %mul3A_343 = vector.broadcast %get3A_342 : vector<1x768xf32> to vector<1024x768xf32>
    %mul3A_344 = arith.mulf %mul3A_339, %mul3A_343 : vector<1024x768xf32>
    %get3A_345 = arith.constant 0 : index
    %get3A_346 = arith.constant 0 : index
    %get3A_347 = vector.load %arg11[%get3A_345, %get3A_346] : memref<1x768xf32, #tpu.memory_space<vmem>>, vector<1x768xf32>
    %add3A_348 = vector.broadcast %get3A_347 : vector<1x768xf32> to vector<1024x768xf32>
    %add3A_349 = arith.addf %mul3A_344, %add3A_348 : vector<1024x768xf32>
    %get3A_350 = arith.constant 0 : index
    %get3A_351 = arith.constant 0 : index
    %get3A_352 = vector.load %arg12[%get3A_350, %get3A_351] : memref<768x512xf32, #tpu.memory_space<vmem>>, vector<768x512xf32>
    %dot_general3A_353 = arith.constant dense<0.000000e+00> : vector<1024x512xf32>
    %dot_general3A_354 = tpu.matmul %add3A_349, %get3A_352, %dot_general3A_353 {dimension_numbers = #tpu.dot_dimension_numbers<[1], [0], [0], [1], [0, 0, 1, 1], [], []>, transpose_lhs_hint = false} : vector<1024x768xf32>, vector<768x512xf32>, vector<1024x512xf32> -> vector<1024x512xf32>
    %get3A_355 = arith.constant 0 : index
    %get3A_356 = arith.constant 0 : index
    %get3A_357 = vector.load %arg13[%get3A_355, %get3A_356] : memref<1x512xf32, #tpu.memory_space<vmem>>, vector<1x512xf32>
    %add3A_358 = vector.broadcast %get3A_357 : vector<1x512xf32> to vector<1024x512xf32>
    %add3A_359 = arith.addf %dot_general3A_354, %add3A_358 : vector<1024x512xf32>
    %neg3A = arith.constant 0.000000e+00 : f32
    %neg3A_360 = vector.broadcast %neg3A : f32 to vector<1024x512xf32>
    %neg3A_361 = arith.subf %neg3A_360, %add3A_359 : vector<1024x512xf32>
    %exp3A = math.exp %neg3A_361 : vector<1024x512xf32>
    %add3A_362 = arith.constant 1.000000e+00 : f32
    %add3A_363 = vector.broadcast %add3A_362 : f32 to vector<1024x512xf32>
    %add3A_364 = arith.addf %add3A_363, %exp3A : vector<1024x512xf32>
    %div3A_365 = arith.constant 1.000000e+00 : f32
    %div3A_366 = vector.broadcast %div3A_365 : f32 to vector<1024x512xf32>
    %div3A_367 = arith.divf %div3A_366, %add3A_364 : vector<1024x512xf32>
    %mul3A_368 = arith.mulf %add3A_359, %div3A_367 : vector<1024x512xf32>
    %get3A_369 = arith.constant 0 : index
    %get3A_370 = arith.constant 0 : index
    %get3A_371 = vector.load %arg14[%get3A_369, %get3A_370] : memref<512x128xf32, #tpu.memory_space<vmem>>, vector<512x128xf32>
    %dot_general3A_372 = arith.constant dense<0.000000e+00> : vector<1024x128xf32>
    %dot_general3A_373 = tpu.matmul %mul3A_368, %get3A_371, %dot_general3A_372 {dimension_numbers = #tpu.dot_dimension_numbers<[1], [0], [0], [1], [0, 0, 1, 1], [], []>, transpose_lhs_hint = false} : vector<1024x512xf32>, vector<512x128xf32>, vector<1024x128xf32> -> vector<1024x128xf32>
    %get3A_374 = arith.constant 0 : index
    %get3A_375 = arith.constant 0 : index
    %get3A_376 = vector.load %arg15[%get3A_374, %get3A_375] : memref<1x128xf32, #tpu.memory_space<vmem>>, vector<1x128xf32>
    %add3A_377 = vector.broadcast %get3A_376 : vector<1x128xf32> to vector<1024x128xf32>
    %add3A_378 = arith.addf %dot_general3A_373, %add3A_377 : vector<1024x128xf32>
    %slice3A_379 = vector.extract_strided_slice %add3A_378 {offsets = [0, 0], sizes = [256, 128], strides = [1, 1]} : vector<1024x128xf32> to vector<256x128xf32>
    %dot_general3A_380 = arith.constant dense<0.000000e+00> : vector<512x128xf32>
    %dot_general3A_381 = tpu.matmul %convert_element_type3A_52, %slice3A_379, %dot_general3A_380 {dimension_numbers = #tpu.dot_dimension_numbers<[1], [0], [0], [1], [0, 0, 1, 1], [], []>, transpose_lhs_hint = false} : vector<512x256xf32>, vector<256x128xf32>, vector<512x128xf32> -> vector<512x128xf32>
    %reduce_max3A_382 = arith.constant dense<0xFF800000> : vector<512xf32>
    %reduce_max3A_383 = vector.multi_reduction <maximumf>, %convert_element_type3A_52, %reduce_max3A_382 [1] : vector<512x256xf32> to vector<512xf32>
    %broadcast_in_dim3A_384 = vector.shape_cast %reduce_max3A_383 : vector<512xf32> to vector<512x1xf32>
    %reduce_max3A_385 = arith.constant dense<0xFF800000> : vector<512xf32>
    %reduce_max3A_386 = vector.multi_reduction <maximumf>, %convert_element_type3A_56, %reduce_max3A_385 [1] : vector<512x256xf32> to vector<512xf32>
    %broadcast_in_dim3A_387 = vector.shape_cast %reduce_max3A_386 : vector<512xf32> to vector<512x1xf32>
    %max3A = arith.maximumf %broadcast_in_dim3A_384, %broadcast_in_dim3A_387 : vector<512x1xf32>
    %gt3A = arith.constant 0.000000e+00 : f32
    %gt3A_388 = vector.broadcast %gt3A : f32 to vector<512x1xf32>
    %gt3A_389 = arith.cmpf ogt, %broadcast_in_dim3A_387, %gt3A_388 : vector<512x1xf32>
    %get3A_390 = arith.constant 0 : index
    %get3A_391 = arith.constant 0 : index
    %get3A_392 = vector.load %arg9[%get3A_390, %get3A_391] : memref<1x128xf32, #tpu.memory_space<vmem>>, vector<1x128xf32>
    %broadcast_in_dim3A_393 = vector.shape_cast %gt3A_389 : vector<512x1xi1> to vector<512x1xi1>
    %broadcast_in_dim3A_394 = vector.broadcast %broadcast_in_dim3A_393 : vector<512x1xi1> to vector<512x128xi1>
    %broadcast_in_dim3A_395 = vector.shape_cast %get3A_392 : vector<1x128xf32> to vector<1x128xf32>
    %broadcast_in_dim3A_396 = vector.broadcast %broadcast_in_dim3A_395 : vector<1x128xf32> to vector<512x128xf32>
    %select_n3A_397 = arith.select %broadcast_in_dim3A_394, %broadcast_in_dim3A_396, %dot_general3A_381 : vector<512x128xi1>, vector<512x128xf32>
    %get3A_398 = arith.constant 0 : index
    %get3A_399 = arith.constant 0 : index
    %get3A_400 = vector.load %arg8[%get3A_398, %get3A_399] : memref<512x128xf32, #tpu.memory_space<vmem>>, vector<512x128xf32>
    %add3A_401 = arith.addf %select_n3A_397, %get3A_400 : vector<512x128xf32>
    %mul3A_402 = vector.broadcast %max3A : vector<512x1xf32> to vector<512x128xf32>
    %mul3A_403 = arith.mulf %add3A_401, %mul3A_402 : vector<512x128xf32>
    %swap3A = arith.constant 0 : index
    %swap3A_404 = arith.constant 0 : index
    %swap3A_405 = arith.constant 0 : index
    %swap3A_406 = vector.load %arg16[%swap3A, %swap3A_404, %swap3A_405] : memref<4x512x128xf32, #tpu.memory_space<vmem>>, vector<1x512x128xf32>
    %swap3A_407 = vector.shape_cast %swap3A_406 : vector<1x512x128xf32> to vector<512x128xf32>
    %swap3A_408 = vector.shape_cast %mul3A_403 : vector<512x128xf32> to vector<1x512x128xf32>
    tpu.vector_store %arg16[%swap3A, %swap3A_404, %swap3A_405], %swap3A_408 {strides = array<i32>} : memref<4x512x128xf32, #tpu.memory_space<vmem>>, vector<1x512x128xf32>,
    %swap3A_409 = arith.constant 0 : index
    %swap3A_410 = arith.constant 0 : index
    %swap3A_411 = arith.constant 0 : index
    %swap3A_412 = vector.load %arg17[%swap3A_409, %swap3A_410, %swap3A_411] : memref<4x512x1xf32, #tpu.memory_space<vmem>>, vector<1x512x1xf32>
    %swap3A_413 = vector.shape_cast %swap3A_412 : vector<1x512x1xf32> to vector<512x1xf32>
    %swap3A_414 = vector.shape_cast %max3A : vector<512x1xf32> to vector<1x512x1xf32>
    tpu.vector_store %arg17[%swap3A_409, %swap3A_410, %swap3A_411], %swap3A_414 {strides = array<i32>} : memref<4x512x1xf32, #tpu.memory_space<vmem>>, vector<1x512x1xf32>,
    %slice3A_415 = vector.extract_strided_slice %add3A_378 {offsets = [256, 0], sizes = [256, 128], strides = [1, 1]} : vector<1024x128xf32> to vector<256x128xf32>
    %dot_general3A_416 = arith.constant dense<0.000000e+00> : vector<512x128xf32>
    %dot_general3A_417 = tpu.matmul %convert_element_type3A_121, %slice3A_415, %dot_general3A_416 {dimension_numbers = #tpu.dot_dimension_numbers<[1], [0], [0], [1], [0, 0, 1, 1], [], []>, transpose_lhs_hint = false} : vector<512x256xf32>, vector<256x128xf32>, vector<512x128xf32> -> vector<512x128xf32>
    %reduce_max3A_418 = arith.constant dense<0xFF800000> : vector<512xf32>
    %reduce_max3A_419 = vector.multi_reduction <maximumf>, %convert_element_type3A_121, %reduce_max3A_418 [1] : vector<512x256xf32> to vector<512xf32>
    %broadcast_in_dim3A_420 = vector.shape_cast %reduce_max3A_419 : vector<512xf32> to vector<512x1xf32>
    %reduce_max3A_421 = arith.constant dense<0xFF800000> : vector<512xf32>
    %reduce_max3A_422 = vector.multi_reduction <maximumf>, %convert_element_type3A_125, %reduce_max3A_421 [1] : vector<512x256xf32> to vector<512xf32>
    %broadcast_in_dim3A_423 = vector.shape_cast %reduce_max3A_422 : vector<512xf32> to vector<512x1xf32>
    %max3A_424 = arith.maximumf %broadcast_in_dim3A_420, %broadcast_in_dim3A_423 : vector<512x1xf32>
    %gt3A_425 = arith.constant 0.000000e+00 : f32
    %gt3A_426 = vector.broadcast %gt3A_425 : f32 to vector<512x1xf32>
    %gt3A_427 = arith.cmpf ogt, %broadcast_in_dim3A_423, %gt3A_426 : vector<512x1xf32>
    %get3A_428 = arith.constant 0 : index
    %get3A_429 = arith.constant 0 : index
    %get3A_430 = vector.load %arg9[%get3A_428, %get3A_429] : memref<1x128xf32, #tpu.memory_space<vmem>>, vector<1x128xf32>
    %broadcast_in_dim3A_431 = vector.shape_cast %gt3A_427 : vector<512x1xi1> to vector<512x1xi1>
    %broadcast_in_dim3A_432 = vector.broadcast %broadcast_in_dim3A_431 : vector<512x1xi1> to vector<512x128xi1>
    %broadcast_in_dim3A_433 = vector.shape_cast %get3A_430 : vector<1x128xf32> to vector<1x128xf32>
    %broadcast_in_dim3A_434 = vector.broadcast %broadcast_in_dim3A_433 : vector<1x128xf32> to vector<512x128xf32>
    %select_n3A_435 = arith.select %broadcast_in_dim3A_432, %broadcast_in_dim3A_434, %dot_general3A_417 : vector<512x128xi1>, vector<512x128xf32>
    %get3A_436 = arith.constant 0 : index
    %get3A_437 = arith.constant 0 : index
    %get3A_438 = vector.load %arg8[%get3A_436, %get3A_437] : memref<512x128xf32, #tpu.memory_space<vmem>>, vector<512x128xf32>
    %add3A_439 = arith.addf %select_n3A_435, %get3A_438 : vector<512x128xf32>
    %mul3A_440 = vector.broadcast %max3A_424 : vector<512x1xf32> to vector<512x128xf32>
    %mul3A_441 = arith.mulf %add3A_439, %mul3A_440 : vector<512x128xf32>
    %swap3A_442 = arith.constant 1 : index
    %swap3A_443 = arith.constant 0 : index
    %swap3A_444 = arith.constant 0 : index
    %swap3A_445 = vector.load %arg16[%swap3A_442, %swap3A_443, %swap3A_444] : memref<4x512x128xf32, #tpu.memory_space<vmem>>, vector<1x512x128xf32>
    %swap3A_446 = vector.shape_cast %swap3A_445 : vector<1x512x128xf32> to vector<512x128xf32>
    %swap3A_447 = vector.shape_cast %mul3A_441 : vector<512x128xf32> to vector<1x512x128xf32>
    tpu.vector_store %arg16[%swap3A_442, %swap3A_443, %swap3A_444], %swap3A_447 {strides = array<i32>} : memref<4x512x128xf32, #tpu.memory_space<vmem>>, vector<1x512x128xf32>,
    %swap3A_448 = arith.constant 1 : index
    %swap3A_449 = arith.constant 0 : index
    %swap3A_450 = arith.constant 0 : index
    %swap3A_451 = vector.load %arg17[%swap3A_448, %swap3A_449, %swap3A_450] : memref<4x512x1xf32, #tpu.memory_space<vmem>>, vector<1x512x1xf32>
    %swap3A_452 = vector.shape_cast %swap3A_451 : vector<1x512x1xf32> to vector<512x1xf32>
    %swap3A_453 = vector.shape_cast %max3A_424 : vector<512x1xf32> to vector<1x512x1xf32>
    tpu.vector_store %arg17[%swap3A_448, %swap3A_449, %swap3A_450], %swap3A_453 {strides = array<i32>} : memref<4x512x1xf32, #tpu.memory_space<vmem>>, vector<1x512x1xf32>,
    %slice3A_454 = vector.extract_strided_slice %add3A_378 {offsets = [512, 0], sizes = [256, 128], strides = [1, 1]} : vector<1024x128xf32> to vector<256x128xf32>
    %dot_general3A_455 = arith.constant dense<0.000000e+00> : vector<512x128xf32>
    %dot_general3A_456 = tpu.matmul %convert_element_type3A_190, %slice3A_454, %dot_general3A_455 {dimension_numbers = #tpu.dot_dimension_numbers<[1], [0], [0], [1], [0, 0, 1, 1], [], []>, transpose_lhs_hint = false} : vector<512x256xf32>, vector<256x128xf32>, vector<512x128xf32> -> vector<512x128xf32>
    %reduce_max3A_457 = arith.constant dense<0xFF800000> : vector<512xf32>
    %reduce_max3A_458 = vector.multi_reduction <maximumf>, %convert_element_type3A_190, %reduce_max3A_457 [1] : vector<512x256xf32> to vector<512xf32>
    %broadcast_in_dim3A_459 = vector.shape_cast %reduce_max3A_458 : vector<512xf32> to vector<512x1xf32>
    %reduce_max3A_460 = arith.constant dense<0xFF800000> : vector<512xf32>
    %reduce_max3A_461 = vector.multi_reduction <maximumf>, %convert_element_type3A_194, %reduce_max3A_460 [1] : vector<512x256xf32> to vector<512xf32>
    %broadcast_in_dim3A_462 = vector.shape_cast %reduce_max3A_461 : vector<512xf32> to vector<512x1xf32>
    %max3A_463 = arith.maximumf %broadcast_in_dim3A_459, %broadcast_in_dim3A_462 : vector<512x1xf32>
    %gt3A_464 = arith.constant 0.000000e+00 : f32
    %gt3A_465 = vector.broadcast %gt3A_464 : f32 to vector<512x1xf32>
    %gt3A_466 = arith.cmpf ogt, %broadcast_in_dim3A_462, %gt3A_465 : vector<512x1xf32>
    %get3A_467 = arith.constant 0 : index
    %get3A_468 = arith.constant 0 : index
    %get3A_469 = vector.load %arg9[%get3A_467, %get3A_468] : memref<1x128xf32, #tpu.memory_space<vmem>>, vector<1x128xf32>
    %broadcast_in_dim3A_470 = vector.shape_cast %gt3A_466 : vector<512x1xi1> to vector<512x1xi1>
    %broadcast_in_dim3A_471 = vector.broadcast %broadcast_in_dim3A_470 : vector<512x1xi1> to vector<512x128xi1>
    %broadcast_in_dim3A_472 = vector.shape_cast %get3A_469 : vector<1x128xf32> to vector<1x128xf32>
    %broadcast_in_dim3A_473 = vector.broadcast %broadcast_in_dim3A_472 : vector<1x128xf32> to vector<512x128xf32>
    %select_n3A_474 = arith.select %broadcast_in_dim3A_471, %broadcast_in_dim3A_473, %dot_general3A_456 : vector<512x128xi1>, vector<512x128xf32>
    %get3A_475 = arith.constant 0 : index
    %get3A_476 = arith.constant 0 : index
    %get3A_477 = vector.load %arg8[%get3A_475, %get3A_476] : memref<512x128xf32, #tpu.memory_space<vmem>>, vector<512x128xf32>
    %add3A_478 = arith.addf %select_n3A_474, %get3A_477 : vector<512x128xf32>
    %mul3A_479 = vector.broadcast %max3A_463 : vector<512x1xf32> to vector<512x128xf32>
    %mul3A_480 = arith.mulf %add3A_478, %mul3A_479 : vector<512x128xf32>
    %swap3A_481 = arith.constant 2 : index
    %swap3A_482 = arith.constant 0 : index
    %swap3A_483 = arith.constant 0 : index
    %swap3A_484 = vector.load %arg16[%swap3A_481, %swap3A_482, %swap3A_483] : memref<4x512x128xf32, #tpu.memory_space<vmem>>, vector<1x512x128xf32>
    %swap3A_485 = vector.shape_cast %swap3A_484 : vector<1x512x128xf32> to vector<512x128xf32>
    %swap3A_486 = vector.shape_cast %mul3A_480 : vector<512x128xf32> to vector<1x512x128xf32>
    tpu.vector_store %arg16[%swap3A_481, %swap3A_482, %swap3A_483], %swap3A_486 {strides = array<i32>} : memref<4x512x128xf32, #tpu.memory_space<vmem>>, vector<1x512x128xf32>,
    %swap3A_487 = arith.constant 2 : index
    %swap3A_488 = arith.constant 0 : index
    %swap3A_489 = arith.constant 0 : index
    %swap3A_490 = vector.load %arg17[%swap3A_487, %swap3A_488, %swap3A_489] : memref<4x512x1xf32, #tpu.memory_space<vmem>>, vector<1x512x1xf32>
    %swap3A_491 = vector.shape_cast %swap3A_490 : vector<1x512x1xf32> to vector<512x1xf32>
    %swap3A_492 = vector.shape_cast %max3A_463 : vector<512x1xf32> to vector<1x512x1xf32>
    tpu.vector_store %arg17[%swap3A_487, %swap3A_488, %swap3A_489], %swap3A_492 {strides = array<i32>} : memref<4x512x1xf32, #tpu.memory_space<vmem>>, vector<1x512x1xf32>,
    %slice3A_493 = vector.extract_strided_slice %add3A_378 {offsets = [768, 0], sizes = [256, 128], strides = [1, 1]} : vector<1024x128xf32> to vector<256x128xf32>
    %dot_general3A_494 = arith.constant dense<0.000000e+00> : vector<512x128xf32>
    %dot_general3A_495 = tpu.matmul %convert_element_type3A_259, %slice3A_493, %dot_general3A_494 {dimension_numbers = #tpu.dot_dimension_numbers<[1], [0], [0], [1], [0, 0, 1, 1], [], []>, transpose_lhs_hint = false} : vector<512x256xf32>, vector<256x128xf32>, vector<512x128xf32> -> vector<512x128xf32>
    %reduce_max3A_496 = arith.constant dense<0xFF800000> : vector<512xf32>
    %reduce_max3A_497 = vector.multi_reduction <maximumf>, %convert_element_type3A_259, %reduce_max3A_496 [1] : vector<512x256xf32> to vector<512xf32>
    %broadcast_in_dim3A_498 = vector.shape_cast %reduce_max3A_497 : vector<512xf32> to vector<512x1xf32>
    %reduce_max3A_499 = arith.constant dense<0xFF800000> : vector<512xf32>
    %reduce_max3A_500 = vector.multi_reduction <maximumf>, %convert_element_type3A_263, %reduce_max3A_499 [1] : vector<512x256xf32> to vector<512xf32>
    %broadcast_in_dim3A_501 = vector.shape_cast %reduce_max3A_500 : vector<512xf32> to vector<512x1xf32>
    %max3A_502 = arith.maximumf %broadcast_in_dim3A_498, %broadcast_in_dim3A_501 : vector<512x1xf32>
    %gt3A_503 = arith.constant 0.000000e+00 : f32
    %gt3A_504 = vector.broadcast %gt3A_503 : f32 to vector<512x1xf32>
    %gt3A_505 = arith.cmpf ogt, %broadcast_in_dim3A_501, %gt3A_504 : vector<512x1xf32>
    %get3A_506 = arith.constant 0 : index
    %get3A_507 = arith.constant 0 : index
    %get3A_508 = vector.load %arg9[%get3A_506, %get3A_507] : memref<1x128xf32, #tpu.memory_space<vmem>>, vector<1x128xf32>
    %broadcast_in_dim3A_509 = vector.shape_cast %gt3A_505 : vector<512x1xi1> to vector<512x1xi1>
    %broadcast_in_dim3A_510 = vector.broadcast %broadcast_in_dim3A_509 : vector<512x1xi1> to vector<512x128xi1>
    %broadcast_in_dim3A_511 = vector.shape_cast %get3A_508 : vector<1x128xf32> to vector<1x128xf32>
    %broadcast_in_dim3A_512 = vector.broadcast %broadcast_in_dim3A_511 : vector<1x128xf32> to vector<512x128xf32>
    %select_n3A_513 = arith.select %broadcast_in_dim3A_510, %broadcast_in_dim3A_512, %dot_general3A_495 : vector<512x128xi1>, vector<512x128xf32>
    %get3A_514 = arith.constant 0 : index
    %get3A_515 = arith.constant 0 : index
    %get3A_516 = vector.load %arg8[%get3A_514, %get3A_515] : memref<512x128xf32, #tpu.memory_space<vmem>>, vector<512x128xf32>
    %add3A_517 = arith.addf %select_n3A_513, %get3A_516 : vector<512x128xf32>
    %mul3A_518 = vector.broadcast %max3A_502 : vector<512x1xf32> to vector<512x128xf32>
    %mul3A_519 = arith.mulf %add3A_517, %mul3A_518 : vector<512x128xf32>
    %swap3A_520 = arith.constant 3 : index
    %swap3A_521 = arith.constant 0 : index
    %swap3A_522 = arith.constant 0 : index
    %swap3A_523 = vector.load %arg16[%swap3A_520, %swap3A_521, %swap3A_522] : memref<4x512x128xf32, #tpu.memory_space<vmem>>, vector<1x512x128xf32>
    %swap3A_524 = vector.shape_cast %swap3A_523 : vector<1x512x128xf32> to vector<512x128xf32>
    %swap3A_525 = vector.shape_cast %mul3A_519 : vector<512x128xf32> to vector<1x512x128xf32>
    tpu.vector_store %arg16[%swap3A_520, %swap3A_521, %swap3A_522], %swap3A_525 {strides = array<i32>} : memref<4x512x128xf32, #tpu.memory_space<vmem>>, vector<1x512x128xf32>,
    %swap3A_526 = arith.constant 3 : index
    %swap3A_527 = arith.constant 0 : index
    %swap3A_528 = arith.constant 0 : index
    %swap3A_529 = vector.load %arg17[%swap3A_526, %swap3A_527, %swap3A_528] : memref<4x512x1xf32, #tpu.memory_space<vmem>>, vector<1x512x1xf32>
    %swap3A_530 = vector.shape_cast %swap3A_529 : vector<1x512x1xf32> to vector<512x1xf32>
    %swap3A_531 = vector.shape_cast %max3A_502 : vector<512x1xf32> to vector<1x512x1xf32>
    tpu.vector_store %arg17[%swap3A_526, %swap3A_527, %swap3A_528], %swap3A_531 {strides = array<i32>} : memref<4x512x1xf32, #tpu.memory_space<vmem>>, vector<1x512x1xf32>,
    return
  }
  func.func @transform_0(%arg0: i32) -> (i32, i32, i32, i32) {
    %c0_i32 = arith.constant 0 : i32
    %c0_i32_0 = arith.constant 0 : i32
    %c0_i32_1 = arith.constant 0 : i32
    %c0_i32_2 = arith.constant 0 : i32
    return %c0_i32, %arg0, %c0_i32_0, %c0_i32_1 : i32, i32, i32, i32
  }
  func.func @transform_1(%arg0: i32) -> (i32, i32, i32) {
    %c0_i32 = arith.constant 0 : i32
    %c0_i32_0 = arith.constant 0 : i32
    %c0_i32_1 = arith.constant 0 : i32
    return %arg0, %c0_i32, %c0_i32_0 : i32, i32, i32
  }
  func.func @transform_2(%arg0: i32) -> i32 {
    %c0_i32 = arith.constant 0 : i32
    %c0_i32_0 = arith.constant 0 : i32
    return %c0_i32 : i32
  }
  func.func @transform_3(%arg0: i32) -> (i32, i32, i32) {
    %c0_i32 = arith.constant 0 : i32
    %c0_i32_0 = arith.constant 0 : i32
    %c0_i32_1 = arith.constant 0 : i32
    return %arg0, %c0_i32, %c0_i32_0 : i32, i32, i32
  }
  func.func @transform_4(%arg0: i32) -> (i32, i32, i32) {
    %c0_i32 = arith.constant 0 : i32
    %c0_i32_0 = arith.constant 0 : i32
    %c0_i32_1 = arith.constant 0 : i32
    return %arg0, %c0_i32, %c0_i32_0 : i32, i32, i32
  }
  func.func @transform_5(%arg0: i32) -> (i32, i32) {
    %c0_i32 = arith.constant 0 : i32
    %c0_i32_0 = arith.constant 0 : i32
    %c0_i32_1 = arith.constant 0 : i32
    return %c0_i32, %c0_i32_0 : i32, i32
  }
  func.func @transform_6(%arg0: i32) -> (i32, i32) {
    %c0_i32 = arith.constant 0 : i32
    %c0_i32_0 = arith.constant 0 : i32
    %c0_i32_1 = arith.constant 0 : i32
    return %c0_i32, %c0_i32_0 : i32, i32
  }
  func.func @transform_7(%arg0: i32) -> (i32, i32) {
    %c0_i32 = arith.constant 0 : i32
    %c0_i32_0 = arith.constant 0 : i32
    %c0_i32_1 = arith.constant 0 : i32
    return %c0_i32, %c0_i32_0 : i32, i32
  }
  func.func @transform_8(%arg0: i32) -> (i32, i32) {
    %c0_i32 = arith.constant 0 : i32
    %c0_i32_0 = arith.constant 0 : i32
    %c0_i32_1 = arith.constant 0 : i32
    return %c0_i32, %c0_i32_0 : i32, i32
  }
  func.func @transform_9(%arg0: i32) -> (i32, i32) {
    %c0_i32 = arith.constant 0 : i32
    %c0_i32_0 = arith.constant 0 : i32
    %c0_i32_1 = arith.constant 0 : i32
    return %c0_i32, %c0_i32_0 : i32, i32
  }
  func.func @transform_10(%arg0: i32) -> (i32, i32) {
    %c0_i32 = arith.constant 0 : i32
    %c0_i32_0 = arith.constant 0 : i32
    %c0_i32_1 = arith.constant 0 : i32
    return %c0_i32, %c0_i32_0 : i32, i32
  }
  func.func @transform_11(%arg0: i32) -> (i32, i32) {
    %c0_i32 = arith.constant 0 : i32
    %c0_i32_0 = arith.constant 0 : i32
    %c0_i32_1 = arith.constant 0 : i32
    return %c0_i32, %c0_i32_0 : i32, i32
  }
  func.func @transform_12(%arg0: i32) -> (i32, i32) {
    %c0_i32 = arith.constant 0 : i32
    %c0_i32_0 = arith.constant 0 : i32
    %c0_i32_1 = arith.constant 0 : i32
    return %c0_i32, %c0_i32_0 : i32, i32
  }
  func.func @transform_13(%arg0: i32) -> (i32, i32) {
    %c0_i32 = arith.constant 0 : i32
    %c0_i32_0 = arith.constant 0 : i32
    %c0_i32_1 = arith.constant 0 : i32
    return %c0_i32, %c0_i32_0 : i32, i32
  }
  func.func @transform_14(%arg0: i32) -> (i32, i32) {
    %c0_i32 = arith.constant 0 : i32
    %c0_i32_0 = arith.constant 0 : i32
    %c0_i32_1 = arith.constant 0 : i32
    return %c0_i32, %c0_i32_0 : i32, i32
  }
  func.func @transform_15(%arg0: i32) -> (i32, i32, i32) {
    %c0_i32 = arith.constant 0 : i32
    %c0_i32_0 = arith.constant 0 : i32
    %c0_i32_1 = arith.constant 0 : i32
    return %arg0, %c0_i32, %c0_i32_0 : i32, i32, i32
  }
  func.func @transform_16(%arg0: i32) -> (i32, i32, i32) {
    %c0_i32 = arith.constant 0 : i32
    %c0_i32_0 = arith.constant 0 : i32
    %c0_i32_1 = arith.constant 0 : i32
    return %arg0, %c0_i32, %c0_i32_0 : i32, i32, i32
  }
}

</mosaic_0001>

<sc_bundles>
// kernel: kernel.4.cloned.1.call-start
scs
__scs_entry_jumppad:
0x0: {  	(pc) =	sbr.rel $0x88, $3  }
0x1: {  	(tag) =	ssettag $0x0;
	lr =	simm.s32 $0x1  }
0x2: {  	[smem:$0x3F8F] =	sst lr;
	_ =	strace $0xD0000000  }
0x3: {  	_ = 	snop  }
0x4: {  	_ = 	snop  }
0x5: {  	_ = 	snop  }
0x6: {  	_ = 	snop  }
0x7: {  	_ = 	snop  }
__scs_overlays_trampoline_lowered:
0x8: {  	[smem:$0x3F9E] =	sst s0  }
0x9: {  	[smem:$0x3F9F] =	sst s1  }
0xa: {  	[smem:$0x3FA0] =	sst s2  }
0xb: {  	[smem:$0x3FA1] =	sst s3  }
0xc: {  	[smem:$0x3FA2] =	sst s4  }
0xd: {  	[smem:$0x3FA3] =	sst s5  }
0xe: {  	[smem:$0x3FA4] =	sst s6  }
0xf: {  	[smem:$0x3FA5] =	sst s7  }
0x10: {  	[smem:$0x3FA6] =	sst s8  }
0x11: {  	[smem:$0x3FA7] =	sst s9;
	s0 =	simm.s32 @!p0 $0x0  }
0x12: {  	s1 =	sld [smem:$0x3F8D];
	s0 =	simm.s32 @p0 $0x1  }
0x13: {  	[smem:$0x3FA8] =	sst s0;
	s0 =	simm.s32 @!p1 $0x0  }
0x14: {  	s2 =	sld [smem:$0x3F8C];
	s0 =	simm.s32 @p1 $0x1  }
0x15: {  	[smem:$0x3FA9] =	sst s0;
	s0 =	simm.s32 @!p2 $0x0  }
0x16: {  	s3 =	sld [smem:$0x3FDB];
	s0 =	simm.s32 @p2 $0x1  }
0x17: {  	s4 =	simm.s32 $0x1BF5;
	[smem:$0x3FAB] =	sst s0  }
0x18: {  	s0 =	sld [smem:$0x3F8E];
	_ =	swait.ge [sflag:s4], $0x0  }
0x19: {  	s7 =	sld [smem:$0x3F8F]  }
0x1a: {  	s8 =	sadd.s32 $0xFFFFE003, lr  }
0x1b: {  	s9 =	sadd.s32 $0xFFFFFEF7, lr;
	s5 =	simm.s32 $0xFFFFFFFF;
	p2 =	slt.u32 s8, $0xFFFFF086  }
0x1c: {  	p1 =	slt.u32 s9, $0xF7A;
	s5 =	simm.s32 @!p2 $0x0  }
0x1d: {  	s5 =	simm.s32 @p1 $0x1;
	p0 =	seq.s32 s7, s2  }
0x1e: {  	s7 =	smul.u32 @!p0 $0xF7A, s2;
	p2 =	seq.s32 @!p0 s5, $0x0  }
0x1f: {  	s9 =	smul.u32 $0xF7A, s1;
	s8 =	simm.s32 @!p0 $0x1BF5;
	p2 =	por !p2, p0  }
0x20: {  	[sflag:s8] =	ssyncset.s32 @!p0 $0xFFFFF086;
	s6 =	sadd.s32 @!p0 s3, s7;
	s7 =	simm.s32 @!p0 $0x108  }
0x21: {  	s3 =	sadd.s32 s3, s9;
	s6 =	sadd.s32 @!p0 $0x88, s6;
	s7 =	simm.s32 @p2 $0x1082  }
0x22: {  	[simem:s7], [sflag:s8] =	dma.local @!p0 [hbm:s6], $0xF7A  }
0x23: {  	s9 =	sor.u32 $0xD0000000, s2;
	s6 =	simm.s32 $0x108;
	_ =	swait.ge @!p0 [sflag:s8], $0x0  }
0x24: {  	s3 =	sadd.s32 $0x88, s3;
	s6 =	simm.s32 @!p1 $0x1082;
	[sflag:s4] =	ssyncset.s32 $0xFFFFF086  }
0x25: {  	[simem:s6], [sflag:s4] =	dma.local [hbm:s3], $0xF7A  }
0x26: {  	[smem:$0x3F8F] =	sst s1;
	(tag) =	ssettag s2;
	_ =	strace s9  }
0x27: {  	s1 =	sld [smem:$0x3F9F]  }
0x28: {  	s2 =	sld [smem:$0x3FA0]  }
0x29: {  	s4 =	sld [smem:$0x3FA2]  }
0x2a: {  	p0 =	seq.s32 s5, $0x0;
	s5 =	sld [smem:$0x3FA3]  }
0x2b: {  	s6 =	sld [smem:$0x3FA4]  }
0x2c: {  	s7 =	sld [smem:$0x3FA5]  }
0x2d: {  	s3 =	simm.s32 $0x108;
	s8 =	sld [smem:$0x3FA6]  }
0x2e: {  	s3 =	simm.s32 @!p0 $0x1082;
	s9 =	sld [smem:$0x3FA7]  }
0x2f: {  	lr =	sadd.s32 s0, s3;
	s0 =	sld [smem:$0x3F9E]  }
0x30: {  	s3 =	sld [smem:$0x3FA1]  }
0x31: {  	[smem:$0x3FAA] =	sst s10  }
0x32: {  	s10 =	sld [smem:$0x3FA8];
	_ =	sdelay $0x3  }
0x33: {  	p0 =	seq.s32 s10, $0x1;
	s10 =	sld [smem:$0x3FAA];
	_ =	sdelay $0x3  }
0x34: {  	[smem:$0x3FAA] =	sst s10  }
0x35: {  	s10 =	sld [smem:$0x3FA9];
	_ =	sdelay $0x3  }
0x36: {  	p1 =	seq.s32 s10, $0x1;
	s10 =	sld [smem:$0x3FAA];
	_ =	sdelay $0x3  }
0x37: {  	[smem:$0x3FAA] =	sst s10  }
0x38: {  	s10 =	sld [smem:$0x3FAB]  }
0x39: {  	_ = 	snop;
	(pc) =	sbr.ind lr, $3  }
0x3a: {  	_ = 	snop  }
0x3b: {  	_ = 	snop  }
0x3c: {  	p2 =	seq.s32 s10, $0x1;
	s10 =	sld [smem:$0x3FAA]  }
0x3d: {  	_ =	shalt  }
0x3e: {  	_ =	shalt  }
0x3f: {  	_ =	shalt  }
0x40: {  	_ =	shalt  }
0x41: {  	_ =	shalt  }
0x42: {  	_ =	shalt  }
0x43: {  	_ =	shalt  }
0x44: {  	_ =	shalt  }
0x45: {  	_ =	shalt  }
0x46: {  	_ =	shalt  }
0x47: {  	_ =	shalt  }
0x48: {  	_ =	shalt  }
0x49: {  	_ =	shalt  }
0x4a: {  	_ =	shalt  }
0x4b: {  	_ =	shalt  }
0x4c: {  	_ =	shalt  }
0x4d: {  	_ =	shalt  }
0x4e: {  	_ =	shalt  }
0x4f: {  	_ =	shalt  }
0x50: {  	_ =	shalt  }
0x51: {  	_ =	shalt  }
0x52: {  	_ =	shalt  }
0x53: {  	_ =	shalt  }
0x54: {  	_ =	shalt  }
0x55: {  	_ =	shalt  }
0x56: {  	_ =	shalt  }
0x57: {  	_ =	shalt  }
0x58: {  	_ =	shalt  }
0x59: {  	_ =	shalt  }
0x5a: {  	_ =	shalt  }
0x5b: {  	_ =	shalt  }
0x5c: {  	_ =	shalt  }
0x5d: {  	_ =	shalt  }
0x5e: {  	_ =	shalt  }
0x5f: {  	_ =	shalt  }
0x60: {  	_ =	shalt  }
0x61: {  	_ =	shalt  }
0x62: {  	_ =	shalt  }
0x63: {  	_ =	shalt  }
0x64: {  	_ =	shalt  }
0x65: {  	_ =	shalt  }
0x66: {  	_ =	shalt  }
0x67: {  	_ =	shalt  }
0x68: {  	_ =	shalt  }
0x69: {  	_ =	shalt  }
0x6a: {  	_ =	shalt  }
0x6b: {  	_ =	shalt  }
0x6c: {  	_ =	shalt  }
0x6d: {  	_ =	shalt  }
0x6e: {  	_ =	shalt  }
0x6f: {  	_ =	shalt  }
0x70: {  	_ =	shalt  }
0x71: {  	_ =	shalt  }
0x72: {  	_ =	shalt  }
0x73: {  	_ =	shalt  }
0x74: {  	_ =	shalt  }
0x75: {  	_ =	shalt  }
0x76: {  	_ =	shalt  }
0x77: {  	_ =	shalt  }
0x78: {  	_ =	shalt  }
0x79: {  	_ =	shalt  }
0x7a: {  	_ =	shalt  }
0x7b: {  	_ =	shalt  }
0x7c: {  	_ =	shalt  }
0x7d: {  	_ =	shalt  }
0x7e: {  	_ =	shalt  }
0x7f: {  	_ =	shalt  }
0x80: {  	_ =	shalt  }
0x81: {  	_ =	shalt  }
0x82: {  	_ =	shalt  }
0x83: {  	_ =	shalt  }
0x84: {  	_ =	shalt  }
0x85: {  	_ =	shalt  }
0x86: {  	_ =	shalt  }
0x87: {  	_ =	shalt  }
.Lfunc_end0:
.L_simem_size_0:
called_computation_lowered:
.L_overlay_start_0:
0x88: {  	s2 =	sld [smem:$0x3FD9]  }
0x89: {  	s3 =	sld [smem:$0x3FFE];
	_ =	sdelay $0x1  }
0x8a: {  	s1 =	srdreg.scid  }
0x8b: {  	s0 =	sand.u32 $0x1, s1  }
0x8c: {  	s14 =	sshll.u32 s0, $0xA;
	s2 =	sadd.s32 s3, s2  }
0x8d: {  	s2 =	sadd.s32 s2, s14  }
0x8e: {  	[smem:$0x3FB6] =	sst s2  }
0x8f: {  	_ = 	snop  }
0x90: {  	s2 =	sld [smem:$0x3FD0];
	_ =	sdelay $0x2  }
0x91: {  	s4 =	simm.s32 $0xA;
	s5 =	simm.s32 $0x10;
	s15 =	sld [smem:$0x3FC2]  }
0x92: {  	[smem:s5], [sflag:s4] =	dma.local [hbm:s2], $0x1  }
0x93: {  	_ =	swait.eq [sflag:s4], $0x1  }
0x94: {  	[sflag:s4] =	ssyncset.done $0x0  }
0x95: {  	[sflag:s4] =	ssyncadd.s32 $0xFFFFFFFF  }
0x96: {  	s16 =	sld [smem:$0x10];
	(tm) =	ssettm $0x1  }
0x97: {  	s17 =	sld [smem:$0x3FFB];
	_ =	sdelay $0x3  }
0x98: {  	_ =	strace s17  }
0x99: {  	s4 =	sld [smem:$0x3FFC];
	_ =	sdelay $0x3  }
0x9a: {  	_ =	strace s4  }
0x9b: {  	s4 =	sld [smem:$0x3FFD];
	_ =	sdelay $0x3  }
0x9c: {  	_ =	strace s4  }
0x9d: {  	_ =	strace $0x8FFFFFFF  }
0x9e: {  	s18 =	sld [smem:$0x3FDB];
	_ =	sdelay $0x1  }
0x9f: {  	s19 =	simm.s32 $_scs_section_size  }
0xa0: {  	s6 =	simm.s32 $_size__tile_overlayer_lowered;
	s7 =	simm.s32 $_tile_overlayer_lowered  }
0xa1: {  	s22 =	simm.s32 $0x1BFF;
	s21 =	sshll.u32 s7, $0x1;
	s4 =	sadd.s32 s19, s18  }
0xa2: {  	s8 =	simm.s32 $0x0;
	s20 =	sshll.u32 s6, $0x1;
	s6 =	sadd.s32 s21, s4  }
0xa3: {  	[timem:s8], [sflag:s22] =	dma.local [hbm:s6], s20  }
0xa4: {  	_ =	swait.ge [sflag:s22], s20  }
0xa5: {  	s5 =	ssub.s32 $0x0, s20;
	[sflag:s22] =	ssyncset.done $0x0  }
0xa6: {  	[sflag:s22] =	ssyncadd.s32 s5;
	_ =	sdelay $0x1  }
0xa7: {  	s23 =	simm.s32 $0x1B8B  }
0xa8: {  	_ =	swait.ge [sflag:s23], $0x1  }
0xa9: {  	[sflag:s23] =	ssyncset.done $0x0  }
0xaa: {  	s25 =	simm.s32 $0x1B8E;
	s24 =	sld [smem:$0x3FFE];
	[sflag:s23] =	ssyncadd.s32 $0xFFFFFFFF  }
0xab: {  	s26 =	simm.s32 $execute0_lowered;
	[smem:$0x3FD2] =	sst s25  }
0xac: {  	s6 =	sshll.u32 s26, $0x1;
	_ =	strace $0x80000046;
	[dreg:$0x1] =	wrdreg $0xFFFFFFFF  }
0xad: {  	s28 =	simm.s32 $_size_execute0_lowered;
	s4 =	sadd.s32 s4, s6;
	[dreg:$0x0] =	wrdreg $0x0  }
0xae: {  	s6 =	sshll.u32 s28, $0x1;
	[dreg:$0x2] =	wrdreg s4  }
0xaf: {  	[dreg:$0x3] =	wrdreg s6  }
0xb0: {  	[dreg:$0x4] =	wrdreg $0xC0  }
0xb1: {  	_ =	task [dreg:s8], $0x5FFFF  }
0xb2: {  	[dreg:$0x1] =	wrdreg $0xFFFFFFFF  }
0xb3: {  	[dreg:$0x0] =	wrdreg $0x60  }
0xb4: {  	[dreg:$0x2] =	wrdreg s16  }
0xb5: {  	[dreg:$0x3] =	wrdreg s15  }
0xb6: {  	[dreg:$0x4] =	wrdreg s24  }
0xb7: {  	[dreg:$0x5] =	wrdreg $0x9  }
0xb8: {  	_ =	task.clear_ibuf [dreg:s8], $0x6FFFF;
	_ =	strace $0x90000046  }
0xb9: {  	s29 =	simm.s32 $0x9;
	_ =	strace $0x80000048  }
0xba: {  	_ =	swait.ge [sflag:s29], $0x1  }
0xbb: {  	[sflag:s29] =	ssyncadd.s32 $0xFFFFFFFF  }
0xbc: {  	_ =	strace $0x90000048  }
0xbd: {  	_ =	sfence  }
0xbe: {  	s30 =	sld [smem:$0x0];
	_ =	sdelay $0x2  }
0xbf: {  	s31 =	sshll.u32 s1, $0xD;
	s1 =	sshrl.u32 s1, $0x2  }
0xc0: {  	s3 =	sand.u32 $0x4000, s31;
	s1 =	sadd.s32 s1, s30  }
0xc1: {  	s0 =	sor.u32 s3, s0;
	s1 =	sshll.u32 s1, $0x11  }
0xc2: {  	s0 =	sor.u32 s1, s0  }
0xc3: {  	s0 =	sadd.s32 $0x8F2B, s0  }
0xc4: {  	[sflag:s0] =	ssyncadd.remote.s32 $0x1  }
0xc5: {  	_ =	sfence.sel $0xFFFF  }
0xc6: {  	[dreg:$0x0] =	wrdreg $0xFFFFFFFF;
	(pc) =	sbr.abs _section_cstart, $3  }
0xc7: {  	[dreg:$0x1] =	wrdreg $0xFFFFFFFF  }
0xc8: {  	_ =	task.clear_ibuf [dreg:s8], $0x2FFFF;
	_ =	strace $0x9FFFFFFF  }
0xc9: {  	(tm) =	ssettm $0x7FFFFFFF  }
tec
execute0_lowered:
.L_overlay_start_1:
0x0: {  	(tag) =	ssettag $0x1  }
0x1: {  	s5 =	rddreg [dreg:$0x0];
	s1 =	srdreg.scid  }
0x2: {  	s2 =	rddreg [dreg:$0x1];
	s0 =	stileid.u32;
	s13 =	sand.u32 $0x1, s1  }
0x3: {  	s11 =	rddreg [dreg:$0x2];
	s4 =	sshll.u32 s0, $0x9;
	s6 =	sshll.u32 s13, $0x8  }
0x4: {  	s3 =	simm.s32 $0x0;
	s1 =	rddreg [dreg:$0x3];
	s12 =	sor.u32 s6, s4  }
0x5: {  	[smem:$0x7FF] =	sst s3;
	s14 =	sor.u32 $0x80, s12;
	s4 =	sshrl.u32 s12, $0x3  }
0x6: {  	_ =	strace $0x80000047;
	s4 =	sadd.s32 s5, s4;
	s28 =	sshrl.u32 s14, $0x3  }
0x7: {  	[tilespmem:s3], [sflag:$0x1] =	stream.linear.gather [hbm4b:s4+s3], $0x80, $0x38;
	[tilespmem:$0x8100] =	vst v63  }
0x8: {  	s7 =	simm.s32 $0x1;
	s6 =	simm.s32 $0x80;
	s5 =	sadd.s32 s5, s28  }
0x9: {  	[tilespmem:s6], [sflag:$0x2] =	stream.linear.gather [hbm4b:s5+s3], $0x80, $0x38;
	[tilespmem:$0x8100] =	vst v63  }
0xa: {  	_ =	swait.ge [sflag:s7], $0x80  }
0xb: {  	[sflag:s7] =	ssyncset.done $0x0  }
0xc: {  	s8 =	simm.s32 $0x100;
	s9 =	simm.s32 $0x2;
	[sflag:s7] =	ssyncadd.s32 $0xFFFFFF80  }
0xd: {  	[tilespmem:s8], [sflag:$0x1] =	stream.indirect.gather [hbm4b:s2+s6], $0x80, s3, s6, $0xb8;
	[tilespmem:$0x8100] =	vst v63  }
0xe: {  	_ =	swait.ge [sflag:s9], $0x80  }
0xf: {  	[sflag:s9] =	ssyncset.done $0x0  }
0x10: {  	s10 =	simm.s32 $0x4100;
	s16 =	ssub.s32 $0x2, s13;
	[sflag:s9] =	ssyncadd.s32 $0xFFFFFF80  }
0x11: {  	[tilespmem:s10], [sflag:$0x3] =	stream.indirect.gather [hbm4b:s2+s6], $0x80, s6, s6, $0xb8;
	[tilespmem:$0x8100] =	vst v63  }
0x12: {  	s15 =	sadd.s32 $0x1E00, s11;
	s31 =	sshrl.u32 s16, $0x1;
	_ =	swait.ge [sflag:s7], $0x4000  }
0x13: {  	s29 =	sshll.u32 s12, $0x4;
	s12 =	simm.s32 $0x3;
	[sflag:s7] =	ssyncset.done $0x0  }
0x14: {  	s11 =	sadd.s32 s15, s29;
	s30 =	sshll.u32 s14, $0x4;
	[sflag:s7] =	ssyncadd.s32 $0xFFFFC000  }
0x15: {  	[hbm4b:s11+s3] =	stream.linear.scatter [tilespmem:s8], [sflag:$0x4], $0x4000, $0x38;
	[tilespmem:$0x8100] =	vst v63  }
0x16: {  	s14 =	sadd.s32 s15, s30;
	s15 =	ssub.s32 s16, s31;
	_ =	swait.ge [sflag:s12], $0x4000  }
0x17: {  	s15 =	smax.u32 s15, $0x1;
	[sflag:s12] =	ssyncset.done $0x0  }
0x18: {  	s13 =	simm.s32 $0x4;
	p0 =	sne.s32 s15, $0x1;
	[sflag:s12] =	ssyncadd.s32 $0xFFFFC000  }
0x19: {  	[hbm4b:s14+s3] =	stream.linear.scatter [tilespmem:s10], [sflag:$0x4], $0x4000, $0x38;
	[tilespmem:$0x8100] =	vst v63  }
.Ltmp0:
0x1a: {  	_ =	swait.ge [sflag:s13], $0x4000;
	(pc) =	sbr.rel @!p0 .LBB2_2-.Ltmp0, $4  }
0x1b: {  	[sflag:s13] =	ssyncset.done $0x0  }
0x1c: {  	[sflag:s13] =	ssyncadd.s32 $0xFFFFC000  }
0x1d: {  	_ =	swait.ge [sflag:s13], $0x4000  }
0x1e: {  	s15 =	sadd.s32 $0xFFFFFFFF, s15;
	[sflag:s13] =	ssyncset.done $0x0  }
.LBB2_1:
0x1f: {  	p0 =	sne.s32 s15, $0x1;
	s15 =	sadd.s32 $0xFFFFFFFF, s15;
	[sflag:s13] =	ssyncadd.s32 $0xFFFFC000  }
0x20: {  	[tilespmem:s3], [sflag:$0x1] =	stream.linear.gather [hbm4b:s4+s3], $0x80, $0x38;
	[tilespmem:$0x8100] =	vst v63  }
0x21: {  	_ = 	snop  }
0x22: {  	[tilespmem:s6], [sflag:$0x2] =	stream.linear.gather [hbm4b:s5+s3], $0x80, $0x38;
	[tilespmem:$0x8100] =	vst v63  }
0x23: {  	_ =	swait.ge [sflag:s7], $0x80  }
0x24: {  	[sflag:s7] =	ssyncset.done $0x0  }
0x25: {  	[sflag:s7] =	ssyncadd.s32 $0xFFFFFF80  }
0x26: {  	[tilespmem:s8], [sflag:$0x1] =	stream.indirect.gather [hbm4b:s2+s6], $0x80, s3, s6, $0xb8;
	[tilespmem:$0x8100] =	vst v63  }
0x27: {  	_ =	swait.ge [sflag:s9], $0x80  }
0x28: {  	[sflag:s9] =	ssyncset.done $0x0  }
0x29: {  	[sflag:s9] =	ssyncadd.s32 $0xFFFFFF80  }
0x2a: {  	[tilespmem:s10], [sflag:$0x3] =	stream.indirect.gather [hbm4b:s2+s6], $0x80, s6, s6, $0xb8;
	[tilespmem:$0x8100] =	vst v63  }
0x2b: {  	_ =	swait.ge [sflag:s7], $0x4000  }
0x2c: {  	[sflag:s7] =	ssyncset.done $0x0  }
0x2d: {  	[sflag:s7] =	ssyncadd.s32 $0xFFFFC000  }
0x2e: {  	[hbm4b:s11+s3] =	stream.linear.scatter [tilespmem:s8], [sflag:$0x4], $0x4000, $0x38;
	[tilespmem:$0x8100] =	vst v63  }
0x2f: {  	_ =	swait.ge [sflag:s12], $0x4000  }
0x30: {  	[sflag:s12] =	ssyncset.done $0x0  }
0x31: {  	[sflag:s12] =	ssyncadd.s32 $0xFFFFC000  }
0x32: {  	[hbm4b:s14+s3] =	stream.linear.scatter [tilespmem:s10], [sflag:$0x4], $0x4000, $0x38;
	[tilespmem:$0x8100] =	vst v63  }
.Ltmp1:
0x33: {  	_ =	swait.ge [sflag:s13], $0x4000;
	(pc) =	sbr.rel @p0 .LBB2_1-.Ltmp1, $4  }
0x34: {  	[sflag:s13] =	ssyncset.done $0x0  }
0x35: {  	[sflag:s13] =	ssyncadd.s32 $0xFFFFC000  }
0x36: {  	_ =	swait.ge [sflag:s13], $0x4000  }
0x37: {  	[sflag:s13] =	ssyncset.done $0x0  }
.LBB2_2:
0x38: {  	[sflag:s13] =	ssyncadd.s32 $0xFFFFC000  }
0x39: {  	_ =	sfence.sel $0x180000  }
0x3a: {  	[bflag:$0x0] =	sbarrier.arrive $0xFFFF  }
0x3b: {  	p0 =	sne.s32 s0, $0x0;
	_ =	strace $0x90000047  }
0x3c: {  	s0 =	sadd.s32 @!p0 $0x100000, s1;
	[bflag:$0x2] =	sbarrier.arrive $0xFFFF  }
0x3d: {  	[sflag:s0] =	ssyncadd.tile.s32 @!p0 $0x1;
	_ =	shalt  }
.Lfunc_end2:
_tile_overlayer_lowered:
.L_overlay_start_2:
0x3e: {  	(tag) =	ssettag $0x2  }
0x3f: {  	s0 =	rddreg [dreg:$0x0];
	s2 =	stileid.u32  }
0x40: {  	s1 =	rddreg [dreg:$0x1];
	p0 =	sne.s32 s2, $0x0  }
0x41: {  	s3 =	rddreg [dreg:$0x2];
	[bflag:$0x3] =	sbarrier.arrive $0xFFFF;
	s2 =	simm.s32 @!p0 $0x1C05  }
0x42: {  	[timem:s3], [sflag:s2] =	dma.local @!p0 [hbm:s0], s1  }
0x43: {  	s0 =	simm.s32 @!p0 $0x5  }
0x44: {  	_ =	swait.ge @!p0 [sflag:s0], s1  }
0x45: {  	s1 =	ssub.s32 @!p0 $0x0, s1;
	[sflag:s0] =	ssyncset.done @!p0 $0x0  }
0x46: {  	[sflag:s0] =	ssyncadd.s32 @!p0 s1  }
0x47: {  	[bflag:$0x3] =	sbarrier.arrive $0xFFFF  }
0x48: {  	_ =	shalt  }

</sc_bundles>
